<compile_context>
chip_gen: v7x
topology: tpu7x:2x2x1
jax: 0.10.2.dev20260603
libtpu: 0.0.44.dev20260713+nightly
codegen_flags: <defaults>
</compile_context>

<pallas_src>
import functools

import jax
import jax.numpy as jnp
from jax import lax
from jax.experimental import pallas as pl
from jax.experimental.pallas import tpu as pltpu
from jax.experimental.pallas import tpu_sc as plsc

N = 10000
E = 320000
F = 128
NP = 10240
CH = 128
NCH = 79
W = 32
EP = W * NCH * CH
SPAN = NP // 16
ZR = SPAN // CH

def _degree_body(dst_hbm, zeros1_hbm, ones1_hbm, out_hbm, idx_d, zb, ob, deg_sh):
    c = lax.axis_index("c")
    s = lax.axis_index("s")
    wid = c * 16 + s
    pltpu.sync_copy(dst_hbm.at[wid], idx_d)
    pltpu.sync_copy(zeros1_hbm, zb)
    pltpu.sync_copy(ones1_hbm, ob)
    for z in range(ZR):
        pltpu.sync_copy(zb, deg_sh.at[pl.ds(s * SPAN + z * CH, CH)])
    plsc.subcore_barrier()

    def chunk(j, carry):
        pltpu.sync_copy(ob, deg_sh.at[idx_d.at[j]], add=True)
        return carry

    lax.fori_loop(0, NCH, chunk, 0)
    plsc.subcore_barrier()
    for z in range(ZR):
        pltpu.sync_copy(deg_sh.at[pl.ds(s * SPAN + z * CH, CH)], zb)
        pltpu.sync_copy(zb, out_hbm.at[c, pl.ds(s * SPAN + z * CH, CH)])


def _scatter_body(hs_hbm, src_hbm, dst_hbm, zeros2_hbm, out_hbm,
                  idx_s, idx_d, rows, acc, sem):
    c = lax.axis_index("c")
    s = lax.axis_index("s")
    wid = c * 16 + s
    pltpu.sync_copy(src_hbm.at[wid], idx_s)
    pltpu.sync_copy(dst_hbm.at[wid], idx_d)
    pltpu.sync_copy(zeros2_hbm, rows)
    for z in range(ZR):
        pltpu.sync_copy(rows, acc.at[pl.ds(s * SPAN + z * CH, CH)])
    plsc.subcore_barrier()

    def chunk(j, carry):
        pltpu.async_copy(hs_hbm.at[idx_s.at[j]], rows, sem).wait()
        pltpu.sync_copy(rows, acc.at[idx_d.at[j]], add=True)
        return carry

    lax.fori_loop(0, NCH, chunk, 0)
    plsc.subcore_barrier()
    for z in range(ZR):
        pltpu.sync_copy(acc.at[pl.ds(s * SPAN + z * CH, CH)], rows)
        pltpu.sync_copy(rows, out_hbm.at[c, pl.ds(s * SPAN + z * CH, CH)])


@functools.cache
def _sc_kernels():
    mesh = plsc.VectorSubcoreMesh(core_axis_name="c", subcore_axis_name="s")
    deg = pl.kernel(
        _degree_body,
        mesh=mesh,
        out_type=jax.ShapeDtypeStruct((2, NP), jnp.float32),
        scratch_types=[
            pltpu.VMEM((NCH, CH), jnp.int32),
            pltpu.VMEM((CH,), jnp.float32),
            pltpu.VMEM((CH,), jnp.float32),
            pltpu.VMEM_SHARED((NP,), jnp.float32),
        ],
    )
    scat = pl.kernel(
        _scatter_body,
        mesh=mesh,
        out_type=jax.ShapeDtypeStruct((2, NP, F), jnp.float32),
        scratch_types=[
            pltpu.VMEM((NCH, CH), jnp.int32),
            pltpu.VMEM((NCH, CH), jnp.int32),
            pltpu.VMEM((CH, F), jnp.float32),
            pltpu.VMEM_SHARED((NP, F), jnp.float32),
            pltpu.SemaphoreType.DMA,
        ],
    )
    return deg, scat



_BLK = 2048
_GRID = NP // _BLK


def _row_spec(w=F):
    return pl.BlockSpec((_BLK, w), lambda i: (i, 0))


def _full_spec(*shape):
    nd = len(shape)
    return pl.BlockSpec(shape, lambda i, _n=nd: (0,) * nd)


def _vec_spec():
    return pl.BlockSpec((_BLK,), lambda i: (i,))


def _tc_mm1_body(x_ref, w1_ref, dp_ref, hs1_ref, dinv_ref):
    deg = dp_ref[0, :] + dp_ref[1, :] + 1.0
    dinv = lax.rsqrt(deg)
    h = jnp.dot(x_ref[...], w1_ref[...], preferred_element_type=jnp.float32)
    hs1_ref[...] = h * dinv[:, None]
    dinv_ref[...] = dinv


def _tc_mid_body(p_ref, hs_ref, dinv_ref, b_ref, x_ref,
                 wa_ref, wb_ref, out_ref):
    dinv = dinv_ref[...]
    h1r = jnp.maximum(
        dinv[:, None] * (p_ref[0] + p_ref[1] + hs_ref[...]) + b_ref[...], 0.0)
    h2 = (jnp.dot(h1r, wa_ref[...], preferred_element_type=jnp.float32)
          + jnp.dot(x_ref[...], wb_ref[...], preferred_element_type=jnp.float32))
    out_ref[...] = h2 * dinv[:, None]


def _tc_head_body(q_ref, hs_ref, dinv_ref, b2_ref, x_ref,
                  f4a_ref, f4b_ref, b4_ref, w5a_ref, w5b_ref, b5_ref, out_ref):
    dinv = dinv_ref[...]
    h2r = jnp.maximum(
        dinv[:, None] * (q_ref[0] + q_ref[1] + hs_ref[...]) + b2_ref[...], 0.0)
    hh = jnp.maximum(
        jnp.dot(x_ref[...], f4a_ref[...], preferred_element_type=jnp.float32)
        + jnp.dot(h2r, f4b_ref[...], preferred_element_type=jnp.float32)
        + b4_ref[...], 0.0)
    o = (jnp.dot(x_ref[...], w5a_ref[...], preferred_element_type=jnp.float32)
         + jnp.dot(hh, w5b_ref[...], preferred_element_type=jnp.float32))
    out_ref[...] = jax.nn.sigmoid(o[:, 0] + b5_ref[0])


def _tc_mm1(x_p, W1, degp):
    return pl.pallas_call(
        _tc_mm1_body,
        grid=(_GRID,),
        in_specs=[_row_spec(), _full_spec(F, F),
                  pl.BlockSpec((2, _BLK), lambda i: (0, i))],
        out_specs=[_row_spec(), _vec_spec()],
        out_shape=[jax.ShapeDtypeStruct((NP, F), jnp.float32),
                   jax.ShapeDtypeStruct((NP,), jnp.float32)],
    )(x_p, W1, degp)


def _part_spec():
    return pl.BlockSpec((2, _BLK, F), lambda i: (0, i, 0))


def _tc_mid(p, hs1, dinv, b1, x_p, W2a, W2b):
    return pl.pallas_call(
        _tc_mid_body,
        grid=(_GRID,),
        in_specs=[_part_spec(), _row_spec(), _vec_spec(),
                  _full_spec(F), _row_spec(), _full_spec(F, F), _full_spec(F, F)],
        out_specs=_row_spec(),
        out_shape=jax.ShapeDtypeStruct((NP, F), jnp.float32),
    )(p, hs1, dinv, b1, x_p, W2a, W2b)


def _tc_head(q, hs2, dinv, b2, x_p, f4a, f4b, b4, w5a, w5b, b5):
    return pl.pallas_call(
        _tc_head_body,
        grid=(_GRID,),
        in_specs=[_part_spec(), _row_spec(), _vec_spec(),
                  _full_spec(F), _row_spec(), _full_spec(F, F), _full_spec(F, F),
                  _full_spec(F), _full_spec(F, 1), _full_spec(F, 1), _full_spec(F)],
        out_specs=_vec_spec(),
        out_shape=jax.ShapeDtypeStruct((NP,), jnp.float32),
    )(q, hs2, dinv, b2, x_p, f4a, f4b, b4, w5a, w5b, b5)



def kernel(x, edge_index, W1, b1, W2, b2, W3, b3, W4, b4, W5, b5,
           fc1_W, fc1_b, fc2_W, fc2_b, fc3_W, fc3_b, fc4_W, fc4_b,
           fc5_W, fc5_b):
    src = edge_index[:, 0]
    dst = edge_index[:, 1]
    pad = EP - E
    src_p = jnp.concatenate([src, jnp.zeros((pad,), jnp.int32)])
    dst_p = jnp.concatenate([dst, jnp.full((pad,), N, jnp.int32)])
    src3 = src_p.reshape(W, NCH, CH)
    dst3 = dst_p.reshape(W, NCH, CH)

    zeros1 = jnp.zeros((CH,), jnp.float32)
    ones1 = jnp.ones((CH,), jnp.float32)
    zeros2 = jnp.zeros((CH, F), jnp.float32)

    x_p = jnp.pad(x, ((0, NP - N), (0, 0)))

    sc_degree, sc_scatter = _sc_kernels()
    degp = sc_degree(dst3, zeros1, ones1)
    hs1, dinv = _tc_mm1(x_p, W1, degp)

    p = sc_scatter(hs1, src3, dst3, zeros2)
    hs2 = _tc_mid(p, hs1, dinv, b1, x_p, W2[:F], W2[F:])

    q = sc_scatter(hs2, src3, dst3, zeros2)
    out = _tc_head(q, hs2, dinv, b2, x_p,
                   fc4_W[:F], fc4_W[F:], fc4_b, fc5_W[:F], fc5_W[F:],
                   jnp.broadcast_to(fc5_b, (F,)))
    return out[:N]

# --- scband reference (transcript-rebuilt; emitter-appended) ---
"""Pipeline reference for scband-graph-conv-dagpool-nn-83854941487717 (READ-ONLY COPY).

The authoritative reference and input builder live on the scoring server;
editing this copy changes nothing except your own understanding.
"""

import jax, jax.numpy as jnp
import numpy as np

N = 10000
E = 320000
FEAT = 128
HID = 128


def gcn_conv(x, ei, W, b):
    n = x.shape[0]
    loops = jnp.arange(n, dtype=ei.dtype)
    src = jnp.concatenate([ei[0], loops])
    dst = jnp.concatenate([ei[1], loops])
    deg = jnp.zeros((n,), x.dtype).at[dst].add(1.0)
    dinv = jax.lax.rsqrt(deg)
    norm = dinv[src] * dinv[dst]
    h = x @ W
    msg = h[src] * norm[:, None]
    out = jnp.zeros((n, W.shape[1]), x.dtype).at[dst].add(msg)
    return out + b


def dag_pool(x, ei, k):
    # cache pre-pool state for unpool (module restores it verbatim)
    unpool_info = (x, ei)
    new_x = x[::k]
    src, dst = ei[0], ei[1]
    m = ((src % k) == 0) & ((dst % k) == 0)
    sentinel = jnp.asarray(new_x.shape[0], src.dtype)
    new_src = jnp.where(m, src // k, sentinel)
    new_dst = jnp.where(m, dst // k, sentinel)
    return new_x, jnp.stack([new_src, new_dst]), unpool_info


def setup_inputs(seed: int = 0):
    key = jax.random.key(seed)
    ks = jax.random.split(key, 32)
    x = jax.random.normal(ks[0], (N, FEAT), dtype=jnp.float32)
    edge_index = jax.random.randint(ks[1], (E, 2), 0, N, dtype=jnp.int32)

    def lin(k, i, o):
        return jax.random.normal(k, (i, o), dtype=jnp.float32) * (1.0 / np.sqrt(i))

    inp = {"x": x, "edge_index": edge_index}
    inp["W1"] = lin(ks[2], FEAT, HID); inp["b1"] = jnp.zeros((HID,), jnp.float32)
    inp["W2"] = lin(ks[3], HID + FEAT, HID); inp["b2"] = jnp.zeros((HID,), jnp.float32)
    inp["W3"] = lin(ks[4], HID + FEAT, HID); inp["b3"] = jnp.zeros((HID,), jnp.float32)
    inp["W4"] = lin(ks[5], HID, HID); inp["b4"] = jnp.zeros((HID,), jnp.float32)
    inp["W5"] = lin(ks[6], HID, HID); inp["b5"] = jnp.zeros((HID,), jnp.float32)
    inp["fc1_W"] = lin(ks[7], HID * 2 + FEAT, HID); inp["fc1_b"] = jnp.zeros((HID,), jnp.float32)
    inp["fc2_W"] = lin(ks[8], HID * 2, HID); inp["fc2_b"] = jnp.zeros((HID,), jnp.float32)
    inp["fc3_W"] = lin(ks[9], HID * 2, HID); inp["fc3_b"] = jnp.zeros((HID,), jnp.float32)
    inp["fc4_W"] = lin(ks[10], HID + FEAT, HID); inp["fc4_b"] = jnp.zeros((HID,), jnp.float32)
    inp["fc5_W"] = lin(ks[11], HID + FEAT, 1); inp["fc5_b"] = jnp.zeros((1,), jnp.float32)
    return inp


def reference(x, edge_index, W1, b1, W2, b2, W3, b3, W4, b4, W5, b5,
              fc1_W, fc1_b, fc2_W, fc2_b, fc3_W, fc3_b, fc4_W, fc4_b, fc5_W, fc5_b):
    ei = edge_index.T
    x_in = x
    h = jax.nn.relu(gcn_conv(x, ei, W1, b1))
    h = jnp.concatenate([h, x_in], axis=-1)
    h = jax.nn.relu(gcn_conv(h, ei, W2, b2))
    h = jnp.concatenate([x_in, h], axis=-1)
    h, ei, up1 = dag_pool(h, ei, 5)
    x_out = h
    h = jax.nn.relu(gcn_conv(h, ei, W3, b3))
    h = jnp.concatenate([x_out, h], axis=-1)
    h = jax.nn.relu(h @ fc1_W + fc1_b)
    h, ei, up2 = dag_pool(h, ei, 3)
    x_out = h
    h = jax.nn.relu(gcn_conv(h, ei, W4, b4))
    h = jnp.concatenate([x_out, h], axis=-1)
    h = jax.nn.relu(h @ fc2_W + fc2_b)
    h, ei, up3 = dag_pool(h, ei, 3)
    x_out = h
    h = jax.nn.relu(gcn_conv(h, ei, W5, b5))
    h = jnp.concatenate([x_out, h], axis=-1)
    h = jax.nn.relu(h @ fc3_W + fc3_b)
    h, ei = up3
    h, ei = up2
    h, ei = up1
    h = jax.nn.relu(h @ fc4_W + fc4_b)
    out = jnp.concatenate([x_in, h], axis=-1) @ fc5_W + fc5_b
    return jnp.ravel(jax.nn.sigmoid(out))

if __name__ == "__main__":
    import jax
    _d = setup_inputs()
    print(jax.jit(kernel)(*tuple(_d.values())))

</pallas_src>

<mosaic_0001>
#map = affine_map<(d0, d1) -> (0, 0, 0)>
#map1 = affine_map<(d0, d1) -> (0)>
#map2 = affine_map<(d0, d1) -> (0, 0)>
module attributes {stable_mosaic.version = 14 : i64} {
  func.func @_degree_body(%arg0: i32, %arg1: i32, %arg2: memref<32x79x128xi32, #tpu.memory_space<hbm>>, %arg3: memref<128xf32, #tpu.memory_space<hbm>>, %arg4: memref<128xf32, #tpu.memory_space<hbm>>, %arg5: memref<2x10240xf32, #tpu.memory_space<hbm>>, %arg6: memref<79x128xi32, #tpu.memory_space<vmem>>, %arg7: memref<128xf32, #tpu.memory_space<vmem>>, %arg8: memref<128xf32, #tpu.memory_space<vmem>>, %arg9: memref<10240xf32, #tpu.memory_space<vmem_shared>>) attributes {dimension_semantics = [#tpu.dimension_semantics<core_parallel>, #tpu.dimension_semantics<subcore_parallel>], iteration_bounds = array<i64: 2, 16>, scalar_prefetch = 0 : i64, scratch_operands = 4 : i64, tpu.core_type = #tpu.core_type<sc_vector_subcore>, window_params = [{transform_indices = #map}, {transform_indices = #map1}, {transform_indices = #map1}, {transform_indices = #map2}]} {
    %mul3A = arith.constant 16 : i32
    %mul3A_0 = arith.muli %arg0, %mul3A : i32
    %add3A = arith.addi %mul3A_0, %arg1 : i32
    "tpu.region"() ({
      %run_scoped3A = tpu.sem_alloc : memref<!tpu.dma_semaphore, #tpu.memory_space<semaphore_mem>>
      %dma_start3A = arith.constant 0 : i32
      %dma_start3A_67 = arith.constant 0 : i32
      %dma_start3A_68 = tpu.memref_slice %arg2[%add3A, %dma_start3A, %dma_start3A_67] : memref<32x79x128xi32, #tpu.memory_space<hbm>> -> memref<1x79x128xi32, #tpu.memory_space<hbm>>
      %dma_start3A_69 = tpu.memref_squeeze %dma_start3A_68 : memref<1x79x128xi32, #tpu.memory_space<hbm>> -> memref<79x128xi32, #tpu.memory_space<hbm>>
      %dma_start3A_70 = arith.constant 0 : i32
      %dma_start3A_71 = arith.constant 0 : i32
      %dma_start3A_72 = tpu.memref_slice %arg2[%add3A, %dma_start3A_70, %dma_start3A_71] : memref<32x79x128xi32, #tpu.memory_space<hbm>> -> memref<1x79x128xi32, #tpu.memory_space<hbm>>
      %dma_start3A_73 = tpu.memref_squeeze %dma_start3A_72 : memref<1x79x128xi32, #tpu.memory_space<hbm>> -> memref<79x128xi32, #tpu.memory_space<hbm>>
      tpu.enqueue_dma source(%dma_start3A_73 : memref<79x128xi32, #tpu.memory_space<hbm>>) target(%arg6 : memref<79x128xi32, #tpu.memory_space<vmem>>) target_semaphore(%run_scoped3A : memref<!tpu.dma_semaphore, #tpu.memory_space<semaphore_mem>>)
      %dma_wait3A = arith.constant 0 : i32
      %dma_wait3A_74 = arith.constant 0 : i32
      %dma_wait3A_75 = tpu.memref_slice %arg2[%add3A, %dma_wait3A, %dma_wait3A_74] : memref<32x79x128xi32, #tpu.memory_space<hbm>> -> memref<1x79x128xi32, #tpu.memory_space<hbm>>
      %dma_wait3A_76 = tpu.memref_squeeze %dma_wait3A_75 : memref<1x79x128xi32, #tpu.memory_space<hbm>> -> memref<79x128xi32, #tpu.memory_space<hbm>>
      %dma_wait3A_77 = arith.constant 0 : i32
      %dma_wait3A_78 = arith.constant 0 : i32
      %dma_wait3A_79 = tpu.memref_slice %arg2[%add3A, %dma_wait3A_77, %dma_wait3A_78] : memref<32x79x128xi32, #tpu.memory_space<hbm>> -> memref<1x79x128xi32, #tpu.memory_space<hbm>>
      %dma_wait3A_80 = tpu.memref_squeeze %dma_wait3A_79 : memref<1x79x128xi32, #tpu.memory_space<hbm>> -> memref<79x128xi32, #tpu.memory_space<hbm>>
      tpu.wait_dma2 semaphore(%run_scoped3A : memref<!tpu.dma_semaphore, #tpu.memory_space<semaphore_mem>>) src(%dma_wait3A_80 : memref<79x128xi32, #tpu.memory_space<hbm>>) dst(%arg6 : memref<79x128xi32, #tpu.memory_space<vmem>>)
      tpu.yield
    }) : () -> ()
    "tpu.region"() ({
      %run_scoped3A = tpu.sem_alloc : memref<!tpu.dma_semaphore, #tpu.memory_space<semaphore_mem>>
      tpu.enqueue_dma source(%arg3 : memref<128xf32, #tpu.memory_space<hbm>>) target(%arg7 : memref<128xf32, #tpu.memory_space<vmem>>) target_semaphore(%run_scoped3A : memref<!tpu.dma_semaphore, #tpu.memory_space<semaphore_mem>>)
      tpu.wait_dma2 semaphore(%run_scoped3A : memref<!tpu.dma_semaphore, #tpu.memory_space<semaphore_mem>>) src(%arg3 : memref<128xf32, #tpu.memory_space<hbm>>) dst(%arg7 : memref<128xf32, #tpu.memory_space<vmem>>)
      tpu.yield
    }) : () -> ()
    "tpu.region"() ({
      %run_scoped3A = tpu.sem_alloc : memref<!tpu.dma_semaphore, #tpu.memory_space<semaphore_mem>>
      tpu.enqueue_dma source(%arg4 : memref<128xf32, #tpu.memory_space<hbm>>) target(%arg8 : memref<128xf32, #tpu.memory_space<vmem>>) target_semaphore(%run_scoped3A : memref<!tpu.dma_semaphore, #tpu.memory_space<semaphore_mem>>)
      tpu.wait_dma2 semaphore(%run_scoped3A : memref<!tpu.dma_semaphore, #tpu.memory_space<semaphore_mem>>) src(%arg4 : memref<128xf32, #tpu.memory_space<hbm>>) dst(%arg8 : memref<128xf32, #tpu.memory_space<vmem>>)
      tpu.yield
    }) : () -> ()
    %mul3A_1 = arith.constant 640 : i32
    %mul3A_2 = arith.muli %arg1, %mul3A_1 : i32
    %add3A_3 = arith.constant 0 : i32
    %add3A_4 = arith.addi %mul3A_2, %add3A_3 : i32
    "tpu.region"() ({
      %run_scoped3A = tpu.sem_alloc : memref<!tpu.dma_semaphore, #tpu.memory_space<semaphore_mem>>
      %dma_start3A = tpu.memref_slice %arg9[%add3A_4] : memref<10240xf32, #tpu.memory_space<vmem_shared>> -> memref<128xf32, #tpu.memory_space<vmem_shared>>
      %dma_start3A_67 = tpu.memref_slice %arg9[%add3A_4] : memref<10240xf32, #tpu.memory_space<vmem_shared>> -> memref<128xf32, #tpu.memory_space<vmem_shared>>
      tpu.enqueue_dma source(%arg7 : memref<128xf32, #tpu.memory_space<vmem>>) target(%dma_start3A_67 : memref<128xf32, #tpu.memory_space<vmem_shared>>) target_semaphore(%run_scoped3A : memref<!tpu.dma_semaphore, #tpu.memory_space<semaphore_mem>>)
      %dma_wait3A = tpu.memref_slice %arg9[%add3A_4] : memref<10240xf32, #tpu.memory_space<vmem_shared>> -> memref<128xf32, #tpu.memory_space<vmem_shared>>
      %dma_wait3A_68 = tpu.memref_slice %arg9[%add3A_4] : memref<10240xf32, #tpu.memory_space<vmem_shared>> -> memref<128xf32, #tpu.memory_space<vmem_shared>>
      tpu.wait_dma2 semaphore(%run_scoped3A : memref<!tpu.dma_semaphore, #tpu.memory_space<semaphore_mem>>) src(%arg7 : memref<128xf32, #tpu.memory_space<vmem>>) dst(%dma_wait3A_68 : memref<128xf32, #tpu.memory_space<vmem_shared>>)
      tpu.yield
    }) : () -> ()
    %mul3A_5 = arith.constant 640 : i32
    %mul3A_6 = arith.muli %arg1, %mul3A_5 : i32
    %add3A_7 = arith.constant 128 : i32
    %add3A_8 = arith.addi %mul3A_6, %add3A_7 : i32
    "tpu.region"() ({
      %run_scoped3A = tpu.sem_alloc : memref<!tpu.dma_semaphore, #tpu.memory_space<semaphore_mem>>
      %dma_start3A = tpu.memref_slice %arg9[%add3A_8] : memref<10240xf32, #tpu.memory_space<vmem_shared>> -> memref<128xf32, #tpu.memory_space<vmem_shared>>
      %dma_start3A_67 = tpu.memref_slice %arg9[%add3A_8] : memref<10240xf32, #tpu.memory_space<vmem_shared>> -> memref<128xf32, #tpu.memory_space<vmem_shared>>
      tpu.enqueue_dma source(%arg7 : memref<128xf32, #tpu.memory_space<vmem>>) target(%dma_start3A_67 : memref<128xf32, #tpu.memory_space<vmem_shared>>) target_semaphore(%run_scoped3A : memref<!tpu.dma_semaphore, #tpu.memory_space<semaphore_mem>>)
      %dma_wait3A = tpu.memref_slice %arg9[%add3A_8] : memref<10240xf32, #tpu.memory_space<vmem_shared>> -> memref<128xf32, #tpu.memory_space<vmem_shared>>
      %dma_wait3A_68 = tpu.memref_slice %arg9[%add3A_8] : memref<10240xf32, #tpu.memory_space<vmem_shared>> -> memref<128xf32, #tpu.memory_space<vmem_shared>>
      tpu.wait_dma2 semaphore(%run_scoped3A : memref<!tpu.dma_semaphore, #tpu.memory_space<semaphore_mem>>) src(%arg7 : memref<128xf32, #tpu.memory_space<vmem>>) dst(%dma_wait3A_68 : memref<128xf32, #tpu.memory_space<vmem_shared>>)
      tpu.yield
    }) : () -> ()
    %mul3A_9 = arith.constant 640 : i32
    %mul3A_10 = arith.muli %arg1, %mul3A_9 : i32
    %add3A_11 = arith.constant 256 : i32
    %add3A_12 = arith.addi %mul3A_10, %add3A_11 : i32
    "tpu.region"() ({
      %run_scoped3A = tpu.sem_alloc : memref<!tpu.dma_semaphore, #tpu.memory_space<semaphore_mem>>
      %dma_start3A = tpu.memref_slice %arg9[%add3A_12] : memref<10240xf32, #tpu.memory_space<vmem_shared>> -> memref<128xf32, #tpu.memory_space<vmem_shared>>
      %dma_start3A_67 = tpu.memref_slice %arg9[%add3A_12] : memref<10240xf32, #tpu.memory_space<vmem_shared>> -> memref<128xf32, #tpu.memory_space<vmem_shared>>
      tpu.enqueue_dma source(%arg7 : memref<128xf32, #tpu.memory_space<vmem>>) target(%dma_start3A_67 : memref<128xf32, #tpu.memory_space<vmem_shared>>) target_semaphore(%run_scoped3A : memref<!tpu.dma_semaphore, #tpu.memory_space<semaphore_mem>>)
      %dma_wait3A = tpu.memref_slice %arg9[%add3A_12] : memref<10240xf32, #tpu.memory_space<vmem_shared>> -> memref<128xf32, #tpu.memory_space<vmem_shared>>
      %dma_wait3A_68 = tpu.memref_slice %arg9[%add3A_12] : memref<10240xf32, #tpu.memory_space<vmem_shared>> -> memref<128xf32, #tpu.memory_space<vmem_shared>>
      tpu.wait_dma2 semaphore(%run_scoped3A : memref<!tpu.dma_semaphore, #tpu.memory_space<semaphore_mem>>) src(%arg7 : memref<128xf32, #tpu.memory_space<vmem>>) dst(%dma_wait3A_68 : memref<128xf32, #tpu.memory_space<vmem_shared>>)
      tpu.yield
    }) : () -> ()
    %mul3A_13 = arith.constant 640 : i32
    %mul3A_14 = arith.muli %arg1, %mul3A_13 : i32
    %add3A_15 = arith.constant 384 : i32
    %add3A_16 = arith.addi %mul3A_14, %add3A_15 : i32
    "tpu.region"() ({
      %run_scoped3A = tpu.sem_alloc : memref<!tpu.dma_semaphore, #tpu.memory_space<semaphore_mem>>
      %dma_start3A = tpu.memref_slice %arg9[%add3A_16] : memref<10240xf32, #tpu.memory_space<vmem_shared>> -> memref<128xf32, #tpu.memory_space<vmem_shared>>
      %dma_start3A_67 = tpu.memref_slice %arg9[%add3A_16] : memref<10240xf32, #tpu.memory_space<vmem_shared>> -> memref<128xf32, #tpu.memory_space<vmem_shared>>
      tpu.enqueue_dma source(%arg7 : memref<128xf32, #tpu.memory_space<vmem>>) target(%dma_start3A_67 : memref<128xf32, #tpu.memory_space<vmem_shared>>) target_semaphore(%run_scoped3A : memref<!tpu.dma_semaphore, #tpu.memory_space<semaphore_mem>>)
      %dma_wait3A = tpu.memref_slice %arg9[%add3A_16] : memref<10240xf32, #tpu.memory_space<vmem_shared>> -> memref<128xf32, #tpu.memory_space<vmem_shared>>
      %dma_wait3A_68 = tpu.memref_slice %arg9[%add3A_16] : memref<10240xf32, #tpu.memory_space<vmem_shared>> -> memref<128xf32, #tpu.memory_space<vmem_shared>>
      tpu.wait_dma2 semaphore(%run_scoped3A : memref<!tpu.dma_semaphore, #tpu.memory_space<semaphore_mem>>) src(%arg7 : memref<128xf32, #tpu.memory_space<vmem>>) dst(%dma_wait3A_68 : memref<128xf32, #tpu.memory_space<vmem_shared>>)
      tpu.yield
    }) : () -> ()
    %mul3A_17 = arith.constant 640 : i32
    %mul3A_18 = arith.muli %arg1, %mul3A_17 : i32
    %add3A_19 = arith.constant 512 : i32
    %add3A_20 = arith.addi %mul3A_18, %add3A_19 : i32
    "tpu.region"() ({
      %run_scoped3A = tpu.sem_alloc : memref<!tpu.dma_semaphore, #tpu.memory_space<semaphore_mem>>
      %dma_start3A = tpu.memref_slice %arg9[%add3A_20] : memref<10240xf32, #tpu.memory_space<vmem_shared>> -> memref<128xf32, #tpu.memory_space<vmem_shared>>
      %dma_start3A_67 = tpu.memref_slice %arg9[%add3A_20] : memref<10240xf32, #tpu.memory_space<vmem_shared>> -> memref<128xf32, #tpu.memory_space<vmem_shared>>
      tpu.enqueue_dma source(%arg7 : memref<128xf32, #tpu.memory_space<vmem>>) target(%dma_start3A_67 : memref<128xf32, #tpu.memory_space<vmem_shared>>) target_semaphore(%run_scoped3A : memref<!tpu.dma_semaphore, #tpu.memory_space<semaphore_mem>>)
      %dma_wait3A = tpu.memref_slice %arg9[%add3A_20] : memref<10240xf32, #tpu.memory_space<vmem_shared>> -> memref<128xf32, #tpu.memory_space<vmem_shared>>
      %dma_wait3A_68 = tpu.memref_slice %arg9[%add3A_20] : memref<10240xf32, #tpu.memory_space<vmem_shared>> -> memref<128xf32, #tpu.memory_space<vmem_shared>>
      tpu.wait_dma2 semaphore(%run_scoped3A : memref<!tpu.dma_semaphore, #tpu.memory_space<semaphore_mem>>) src(%arg7 : memref<128xf32, #tpu.memory_space<vmem>>) dst(%dma_wait3A_68 : memref<128xf32, #tpu.memory_space<vmem_shared>>)
      tpu.yield
    }) : () -> ()
    %barrier3A = arith.constant 0 : index
    tpu.barrier barrier_id(%barrier3A)
    %scan3A = arith.constant 0 : i32
    %scan3A_21 = arith.constant 0 : i32
    %scan3A_22 = arith.constant 79 : i32
    %scan3A_23 = arith.addi %scan3A_21, %scan3A_22 : i32
    %scan3A_24 = arith.constant 1 : i32
    scf.for %scan3A_67 = %scan3A_21 to %scan3A_23 step %scan3A_24  : i32 {
      "tpu.region"() ({
        %run_scoped3A = tpu.sem_alloc : memref<!tpu.dma_semaphore, #tpu.memory_space<semaphore_mem>>
        %dma_start3A = arith.constant 0 : i32
        %dma_start3A_68 = tpu.memref_slice %arg6[%scan3A_67, %dma_start3A] : memref<79x128xi32, #tpu.memory_space<vmem>> -> memref<1x128xi32, #tpu.memory_space<vmem>>
        %dma_start3A_69 = tpu.memref_squeeze %dma_start3A_68 : memref<1x128xi32, #tpu.memory_space<vmem>> -> memref<128xi32, #tpu.memory_space<vmem>>
        %dma_start3A_70 = arith.constant 0 : i32
        %dma_start3A_71 = tpu.memref_slice %arg9[%dma_start3A_70] : memref<10240xf32, #tpu.memory_space<vmem_shared>> -> memref<10240xf32, #tpu.memory_space<vmem_shared>>
        tpu.enqueue_indirect_dma source(%arg8 : memref<128xf32, #tpu.memory_space<vmem>>) target(%dma_start3A_71 : memref<10240xf32, #tpu.memory_space<vmem_shared>>) offsets(%dma_start3A_69 : memref<128xi32, #tpu.memory_space<vmem>>) semaphore(%run_scoped3A : memref<!tpu.dma_semaphore, #tpu.memory_space<semaphore_mem>>) {add = true}
        %dma_wait3A = arith.constant 0 : i32
        %dma_wait3A_72 = tpu.memref_slice %arg6[%scan3A_67, %dma_wait3A] : memref<79x128xi32, #tpu.memory_space<vmem>> -> memref<1x128xi32, #tpu.memory_space<vmem>>
        %dma_wait3A_73 = tpu.memref_squeeze %dma_wait3A_72 : memref<1x128xi32, #tpu.memory_space<vmem>> -> memref<128xi32, #tpu.memory_space<vmem>>
        %dma_wait3A_74 = arith.constant 0 : i32
        %dma_wait3A_75 = tpu.memref_slice %arg9[%dma_wait3A_74] : memref<10240xf32, #tpu.memory_space<vmem_shared>> -> memref<10240xf32, #tpu.memory_space<vmem_shared>>
        tpu.wait_indirect_dma semaphore(%run_scoped3A : memref<!tpu.dma_semaphore, #tpu.memory_space<semaphore_mem>>) src(%arg8 : memref<128xf32, #tpu.memory_space<vmem>>) dst(%dma_wait3A_75 : memref<10240xf32, #tpu.memory_space<vmem_shared>>)
        tpu.yield
      }) : () -> ()
    }
    %scan3A_25 = arith.constant 79 : i32
    %barrier3A_26 = arith.constant 0 : index
    tpu.barrier barrier_id(%barrier3A_26)
    %mul3A_27 = arith.constant 640 : i32
    %mul3A_28 = arith.muli %arg1, %mul3A_27 : i32
    %add3A_29 = arith.constant 0 : i32
    %add3A_30 = arith.addi %mul3A_28, %add3A_29 : i32
    "tpu.region"() ({
      %run_scoped3A = tpu.sem_alloc : memref<!tpu.dma_semaphore, #tpu.memory_space<semaphore_mem>>
      %dma_start3A = tpu.memref_slice %arg9[%add3A_30] : memref<10240xf32, #tpu.memory_space<vmem_shared>> -> memref<128xf32, #tpu.memory_space<vmem_shared>>
      %dma_start3A_67 = tpu.memref_slice %arg9[%add3A_30] : memref<10240xf32, #tpu.memory_space<vmem_shared>> -> memref<128xf32, #tpu.memory_space<vmem_shared>>
      tpu.enqueue_dma source(%dma_start3A_67 : memref<128xf32, #tpu.memory_space<vmem_shared>>) target(%arg7 : memref<128xf32, #tpu.memory_space<vmem>>) target_semaphore(%run_scoped3A : memref<!tpu.dma_semaphore, #tpu.memory_space<semaphore_mem>>)
      %dma_wait3A = tpu.memref_slice %arg9[%add3A_30] : memref<10240xf32, #tpu.memory_space<vmem_shared>> -> memref<128xf32, #tpu.memory_space<vmem_shared>>
      %dma_wait3A_68 = tpu.memref_slice %arg9[%add3A_30] : memref<10240xf32, #tpu.memory_space<vmem_shared>> -> memref<128xf32, #tpu.memory_space<vmem_shared>>
      tpu.wait_dma2 semaphore(%run_scoped3A : memref<!tpu.dma_semaphore, #tpu.memory_space<semaphore_mem>>) src(%dma_wait3A_68 : memref<128xf32, #tpu.memory_space<vmem_shared>>) dst(%arg7 : memref<128xf32, #tpu.memory_space<vmem>>)
      tpu.yield
    }) : () -> ()
    %mul3A_31 = arith.constant 640 : i32
    %mul3A_32 = arith.muli %arg1, %mul3A_31 : i32
    %add3A_33 = arith.constant 0 : i32
    %add3A_34 = arith.addi %mul3A_32, %add3A_33 : i32
    "tpu.region"() ({
      %run_scoped3A = tpu.sem_alloc : memref<!tpu.dma_semaphore, #tpu.memory_space<semaphore_mem>>
      %dma_start3A = tpu.memref_slice %arg5[%arg0, %add3A_34] : memref<2x10240xf32, #tpu.memory_space<hbm>> -> memref<1x128xf32, #tpu.memory_space<hbm>>
      %dma_start3A_67 = tpu.memref_squeeze %dma_start3A : memref<1x128xf32, #tpu.memory_space<hbm>> -> memref<128xf32, #tpu.memory_space<hbm>>
      %dma_start3A_68 = tpu.memref_slice %arg5[%arg0, %add3A_34] : memref<2x10240xf32, #tpu.memory_space<hbm>> -> memref<1x128xf32, #tpu.memory_space<hbm>>
      %dma_start3A_69 = tpu.memref_squeeze %dma_start3A_68 : memref<1x128xf32, #tpu.memory_space<hbm>> -> memref<128xf32, #tpu.memory_space<hbm>>
      tpu.enqueue_dma source(%arg7 : memref<128xf32, #tpu.memory_space<vmem>>) target(%dma_start3A_69 : memref<128xf32, #tpu.memory_space<hbm>>) target_semaphore(%run_scoped3A : memref<!tpu.dma_semaphore, #tpu.memory_space<semaphore_mem>>)
      %dma_wait3A = tpu.memref_slice %arg5[%arg0, %add3A_34] : memref<2x10240xf32, #tpu.memory_space<hbm>> -> memref<1x128xf32, #tpu.memory_space<hbm>>
      %dma_wait3A_70 = tpu.memref_squeeze %dma_wait3A : memref<1x128xf32, #tpu.memory_space<hbm>> -> memref<128xf32, #tpu.memory_space<hbm>>
      %dma_wait3A_71 = tpu.memref_slice %arg5[%arg0, %add3A_34] : memref<2x10240xf32, #tpu.memory_space<hbm>> -> memref<1x128xf32, #tpu.memory_space<hbm>>
      %dma_wait3A_72 = tpu.memref_squeeze %dma_wait3A_71 : memref<1x128xf32, #tpu.memory_space<hbm>> -> memref<128xf32, #tpu.memory_space<hbm>>
      tpu.wait_dma2 semaphore(%run_scoped3A : memref<!tpu.dma_semaphore, #tpu.memory_space<semaphore_mem>>) src(%arg7 : memref<128xf32, #tpu.memory_space<vmem>>) dst(%dma_wait3A_72 : memref<128xf32, #tpu.memory_space<hbm>>)
      tpu.yield
    }) : () -> ()
    %mul3A_35 = arith.constant 640 : i32
    %mul3A_36 = arith.muli %arg1, %mul3A_35 : i32
    %add3A_37 = arith.constant 128 : i32
    %add3A_38 = arith.addi %mul3A_36, %add3A_37 : i32
    "tpu.region"() ({
      %run_scoped3A = tpu.sem_alloc : memref<!tpu.dma_semaphore, #tpu.memory_space<semaphore_mem>>
      %dma_start3A = tpu.memref_slice %arg9[%add3A_38] : memref<10240xf32, #tpu.memory_space<vmem_shared>> -> memref<128xf32, #tpu.memory_space<vmem_shared>>
      %dma_start3A_67 = tpu.memref_slice %arg9[%add3A_38] : memref<10240xf32, #tpu.memory_space<vmem_shared>> -> memref<128xf32, #tpu.memory_space<vmem_shared>>
      tpu.enqueue_dma source(%dma_start3A_67 : memref<128xf32, #tpu.memory_space<vmem_shared>>) target(%arg7 : memref<128xf32, #tpu.memory_space<vmem>>) target_semaphore(%run_scoped3A : memref<!tpu.dma_semaphore, #tpu.memory_space<semaphore_mem>>)
      %dma_wait3A = tpu.memref_slice %arg9[%add3A_38] : memref<10240xf32, #tpu.memory_space<vmem_shared>> -> memref<128xf32, #tpu.memory_space<vmem_shared>>
      %dma_wait3A_68 = tpu.memref_slice %arg9[%add3A_38] : memref<10240xf32, #tpu.memory_space<vmem_shared>> -> memref<128xf32, #tpu.memory_space<vmem_shared>>
      tpu.wait_dma2 semaphore(%run_scoped3A : memref<!tpu.dma_semaphore, #tpu.memory_space<semaphore_mem>>) src(%dma_wait3A_68 : memref<128xf32, #tpu.memory_space<vmem_shared>>) dst(%arg7 : memref<128xf32, #tpu.memory_space<vmem>>)
      tpu.yield
    }) : () -> ()
    %mul3A_39 = arith.constant 640 : i32
    %mul3A_40 = arith.muli %arg1, %mul3A_39 : i32
    %add3A_41 = arith.constant 128 : i32
    %add3A_42 = arith.addi %mul3A_40, %add3A_41 : i32
    "tpu.region"() ({
      %run_scoped3A = tpu.sem_alloc : memref<!tpu.dma_semaphore, #tpu.memory_space<semaphore_mem>>
      %dma_start3A = tpu.memref_slice %arg5[%arg0, %add3A_42] : memref<2x10240xf32, #tpu.memory_space<hbm>> -> memref<1x128xf32, #tpu.memory_space<hbm>>
      %dma_start3A_67 = tpu.memref_squeeze %dma_start3A : memref<1x128xf32, #tpu.memory_space<hbm>> -> memref<128xf32, #tpu.memory_space<hbm>>
      %dma_start3A_68 = tpu.memref_slice %arg5[%arg0, %add3A_42] : memref<2x10240xf32, #tpu.memory_space<hbm>> -> memref<1x128xf32, #tpu.memory_space<hbm>>
      %dma_start3A_69 = tpu.memref_squeeze %dma_start3A_68 : memref<1x128xf32, #tpu.memory_space<hbm>> -> memref<128xf32, #tpu.memory_space<hbm>>
      tpu.enqueue_dma source(%arg7 : memref<128xf32, #tpu.memory_space<vmem>>) target(%dma_start3A_69 : memref<128xf32, #tpu.memory_space<hbm>>) target_semaphore(%run_scoped3A : memref<!tpu.dma_semaphore, #tpu.memory_space<semaphore_mem>>)
      %dma_wait3A = tpu.memref_slice %arg5[%arg0, %add3A_42] : memref<2x10240xf32, #tpu.memory_space<hbm>> -> memref<1x128xf32, #tpu.memory_space<hbm>>
      %dma_wait3A_70 = tpu.memref_squeeze %dma_wait3A : memref<1x128xf32, #tpu.memory_space<hbm>> -> memref<128xf32, #tpu.memory_space<hbm>>
      %dma_wait3A_71 = tpu.memref_slice %arg5[%arg0, %add3A_42] : memref<2x10240xf32, #tpu.memory_space<hbm>> -> memref<1x128xf32, #tpu.memory_space<hbm>>
      %dma_wait3A_72 = tpu.memref_squeeze %dma_wait3A_71 : memref<1x128xf32, #tpu.memory_space<hbm>> -> memref<128xf32, #tpu.memory_space<hbm>>
      tpu.wait_dma2 semaphore(%run_scoped3A : memref<!tpu.dma_semaphore, #tpu.memory_space<semaphore_mem>>) src(%arg7 : memref<128xf32, #tpu.memory_space<vmem>>) dst(%dma_wait3A_72 : memref<128xf32, #tpu.memory_space<hbm>>)
      tpu.yield
    }) : () -> ()
    %mul3A_43 = arith.constant 640 : i32
    %mul3A_44 = arith.muli %arg1, %mul3A_43 : i32
    %add3A_45 = arith.constant 256 : i32
    %add3A_46 = arith.addi %mul3A_44, %add3A_45 : i32
    "tpu.region"() ({
      %run_scoped3A = tpu.sem_alloc : memref<!tpu.dma_semaphore, #tpu.memory_space<semaphore_mem>>
      %dma_start3A = tpu.memref_slice %arg9[%add3A_46] : memref<10240xf32, #tpu.memory_space<vmem_shared>> -> memref<128xf32, #tpu.memory_space<vmem_shared>>
      %dma_start3A_67 = tpu.memref_slice %arg9[%add3A_46] : memref<10240xf32, #tpu.memory_space<vmem_shared>> -> memref<128xf32, #tpu.memory_space<vmem_shared>>
      tpu.enqueue_dma source(%dma_start3A_67 : memref<128xf32, #tpu.memory_space<vmem_shared>>) target(%arg7 : memref<128xf32, #tpu.memory_space<vmem>>) target_semaphore(%run_scoped3A : memref<!tpu.dma_semaphore, #tpu.memory_space<semaphore_mem>>)
      %dma_wait3A = tpu.memref_slice %arg9[%add3A_46] : memref<10240xf32, #tpu.memory_space<vmem_shared>> -> memref<128xf32, #tpu.memory_space<vmem_shared>>
      %dma_wait3A_68 = tpu.memref_slice %arg9[%add3A_46] : memref<10240xf32, #tpu.memory_space<vmem_shared>> -> memref<128xf32, #tpu.memory_space<vmem_shared>>
      tpu.wait_dma2 semaphore(%run_scoped3A : memref<!tpu.dma_semaphore, #tpu.memory_space<semaphore_mem>>) src(%dma_wait3A_68 : memref<128xf32, #tpu.memory_space<vmem_shared>>) dst(%arg7 : memref<128xf32, #tpu.memory_space<vmem>>)
      tpu.yield
    }) : () -> ()
    %mul3A_47 = arith.constant 640 : i32
    %mul3A_48 = arith.muli %arg1, %mul3A_47 : i32
    %add3A_49 = arith.constant 256 : i32
    %add3A_50 = arith.addi %mul3A_48, %add3A_49 : i32
    "tpu.region"() ({
      %run_scoped3A = tpu.sem_alloc : memref<!tpu.dma_semaphore, #tpu.memory_space<semaphore_mem>>
      %dma_start3A = tpu.memref_slice %arg5[%arg0, %add3A_50] : memref<2x10240xf32, #tpu.memory_space<hbm>> -> memref<1x128xf32, #tpu.memory_space<hbm>>
      %dma_start3A_67 = tpu.memref_squeeze %dma_start3A : memref<1x128xf32, #tpu.memory_space<hbm>> -> memref<128xf32, #tpu.memory_space<hbm>>
      %dma_start3A_68 = tpu.memref_slice %arg5[%arg0, %add3A_50] : memref<2x10240xf32, #tpu.memory_space<hbm>> -> memref<1x128xf32, #tpu.memory_space<hbm>>
      %dma_start3A_69 = tpu.memref_squeeze %dma_start3A_68 : memref<1x128xf32, #tpu.memory_space<hbm>> -> memref<128xf32, #tpu.memory_space<hbm>>
      tpu.enqueue_dma source(%arg7 : memref<128xf32, #tpu.memory_space<vmem>>) target(%dma_start3A_69 : memref<128xf32, #tpu.memory_space<hbm>>) target_semaphore(%run_scoped3A : memref<!tpu.dma_semaphore, #tpu.memory_space<semaphore_mem>>)
      %dma_wait3A = tpu.memref_slice %arg5[%arg0, %add3A_50] : memref<2x10240xf32, #tpu.memory_space<hbm>> -> memref<1x128xf32, #tpu.memory_space<hbm>>
      %dma_wait3A_70 = tpu.memref_squeeze %dma_wait3A : memref<1x128xf32, #tpu.memory_space<hbm>> -> memref<128xf32, #tpu.memory_space<hbm>>
      %dma_wait3A_71 = tpu.memref_slice %arg5[%arg0, %add3A_50] : memref<2x10240xf32, #tpu.memory_space<hbm>> -> memref<1x128xf32, #tpu.memory_space<hbm>>
      %dma_wait3A_72 = tpu.memref_squeeze %dma_wait3A_71 : memref<1x128xf32, #tpu.memory_space<hbm>> -> memref<128xf32, #tpu.memory_space<hbm>>
      tpu.wait_dma2 semaphore(%run_scoped3A : memref<!tpu.dma_semaphore, #tpu.memory_space<semaphore_mem>>) src(%arg7 : memref<128xf32, #tpu.memory_space<vmem>>) dst(%dma_wait3A_72 : memref<128xf32, #tpu.memory_space<hbm>>)
      tpu.yield
    }) : () -> ()
    %mul3A_51 = arith.constant 640 : i32
    %mul3A_52 = arith.muli %arg1, %mul3A_51 : i32
    %add3A_53 = arith.constant 384 : i32
    %add3A_54 = arith.addi %mul3A_52, %add3A_53 : i32
    "tpu.region"() ({
      %run_scoped3A = tpu.sem_alloc : memref<!tpu.dma_semaphore, #tpu.memory_space<semaphore_mem>>
      %dma_start3A = tpu.memref_slice %arg9[%add3A_54] : memref<10240xf32, #tpu.memory_space<vmem_shared>> -> memref<128xf32, #tpu.memory_space<vmem_shared>>
      %dma_start3A_67 = tpu.memref_slice %arg9[%add3A_54] : memref<10240xf32, #tpu.memory_space<vmem_shared>> -> memref<128xf32, #tpu.memory_space<vmem_shared>>
      tpu.enqueue_dma source(%dma_start3A_67 : memref<128xf32, #tpu.memory_space<vmem_shared>>) target(%arg7 : memref<128xf32, #tpu.memory_space<vmem>>) target_semaphore(%run_scoped3A : memref<!tpu.dma_semaphore, #tpu.memory_space<semaphore_mem>>)
      %dma_wait3A = tpu.memref_slice %arg9[%add3A_54] : memref<10240xf32, #tpu.memory_space<vmem_shared>> -> memref<128xf32, #tpu.memory_space<vmem_shared>>
      %dma_wait3A_68 = tpu.memref_slice %arg9[%add3A_54] : memref<10240xf32, #tpu.memory_space<vmem_shared>> -> memref<128xf32, #tpu.memory_space<vmem_shared>>
      tpu.wait_dma2 semaphore(%run_scoped3A : memref<!tpu.dma_semaphore, #tpu.memory_space<semaphore_mem>>) src(%dma_wait3A_68 : memref<128xf32, #tpu.memory_space<vmem_shared>>) dst(%arg7 : memref<128xf32, #tpu.memory_space<vmem>>)
      tpu.yield
    }) : () -> ()
    %mul3A_55 = arith.constant 640 : i32
    %mul3A_56 = arith.muli %arg1, %mul3A_55 : i32
    %add3A_57 = arith.constant 384 : i32
    %add3A_58 = arith.addi %mul3A_56, %add3A_57 : i32
    "tpu.region"() ({
      %run_scoped3A = tpu.sem_alloc : memref<!tpu.dma_semaphore, #tpu.memory_space<semaphore_mem>>
      %dma_start3A = tpu.memref_slice %arg5[%arg0, %add3A_58] : memref<2x10240xf32, #tpu.memory_space<hbm>> -> memref<1x128xf32, #tpu.memory_space<hbm>>
      %dma_start3A_67 = tpu.memref_squeeze %dma_start3A : memref<1x128xf32, #tpu.memory_space<hbm>> -> memref<128xf32, #tpu.memory_space<hbm>>
      %dma_start3A_68 = tpu.memref_slice %arg5[%arg0, %add3A_58] : memref<2x10240xf32, #tpu.memory_space<hbm>> -> memref<1x128xf32, #tpu.memory_space<hbm>>
      %dma_start3A_69 = tpu.memref_squeeze %dma_start3A_68 : memref<1x128xf32, #tpu.memory_space<hbm>> -> memref<128xf32, #tpu.memory_space<hbm>>
      tpu.enqueue_dma source(%arg7 : memref<128xf32, #tpu.memory_space<vmem>>) target(%dma_start3A_69 : memref<128xf32, #tpu.memory_space<hbm>>) target_semaphore(%run_scoped3A : memref<!tpu.dma_semaphore, #tpu.memory_space<semaphore_mem>>)
      %dma_wait3A = tpu.memref_slice %arg5[%arg0, %add3A_58] : memref<2x10240xf32, #tpu.memory_space<hbm>> -> memref<1x128xf32, #tpu.memory_space<hbm>>
      %dma_wait3A_70 = tpu.memref_squeeze %dma_wait3A : memref<1x128xf32, #tpu.memory_space<hbm>> -> memref<128xf32, #tpu.memory_space<hbm>>
      %dma_wait3A_71 = tpu.memref_slice %arg5[%arg0, %add3A_58] : memref<2x10240xf32, #tpu.memory_space<hbm>> -> memref<1x128xf32, #tpu.memory_space<hbm>>
      %dma_wait3A_72 = tpu.memref_squeeze %dma_wait3A_71 : memref<1x128xf32, #tpu.memory_space<hbm>> -> memref<128xf32, #tpu.memory_space<hbm>>
      tpu.wait_dma2 semaphore(%run_scoped3A : memref<!tpu.dma_semaphore, #tpu.memory_space<semaphore_mem>>) src(%arg7 : memref<128xf32, #tpu.memory_space<vmem>>) dst(%dma_wait3A_72 : memref<128xf32, #tpu.memory_space<hbm>>)
      tpu.yield
    }) : () -> ()
    %mul3A_59 = arith.constant 640 : i32
    %mul3A_60 = arith.muli %arg1, %mul3A_59 : i32
    %add3A_61 = arith.constant 512 : i32
    %add3A_62 = arith.addi %mul3A_60, %add3A_61 : i32
    "tpu.region"() ({
      %run_scoped3A = tpu.sem_alloc : memref<!tpu.dma_semaphore, #tpu.memory_space<semaphore_mem>>
      %dma_start3A = tpu.memref_slice %arg9[%add3A_62] : memref<10240xf32, #tpu.memory_space<vmem_shared>> -> memref<128xf32, #tpu.memory_space<vmem_shared>>
      %dma_start3A_67 = tpu.memref_slice %arg9[%add3A_62] : memref<10240xf32, #tpu.memory_space<vmem_shared>> -> memref<128xf32, #tpu.memory_space<vmem_shared>>
      tpu.enqueue_dma source(%dma_start3A_67 : memref<128xf32, #tpu.memory_space<vmem_shared>>) target(%arg7 : memref<128xf32, #tpu.memory_space<vmem>>) target_semaphore(%run_scoped3A : memref<!tpu.dma_semaphore, #tpu.memory_space<semaphore_mem>>)
      %dma_wait3A = tpu.memref_slice %arg9[%add3A_62] : memref<10240xf32, #tpu.memory_space<vmem_shared>> -> memref<128xf32, #tpu.memory_space<vmem_shared>>
      %dma_wait3A_68 = tpu.memref_slice %arg9[%add3A_62] : memref<10240xf32, #tpu.memory_space<vmem_shared>> -> memref<128xf32, #tpu.memory_space<vmem_shared>>
      tpu.wait_dma2 semaphore(%run_scoped3A : memref<!tpu.dma_semaphore, #tpu.memory_space<semaphore_mem>>) src(%dma_wait3A_68 : memref<128xf32, #tpu.memory_space<vmem_shared>>) dst(%arg7 : memref<128xf32, #tpu.memory_space<vmem>>)
      tpu.yield
    }) : () -> ()
    %mul3A_63 = arith.constant 640 : i32
    %mul3A_64 = arith.muli %arg1, %mul3A_63 : i32
    %add3A_65 = arith.constant 512 : i32
    %add3A_66 = arith.addi %mul3A_64, %add3A_65 : i32
    "tpu.region"() ({
      %run_scoped3A = tpu.sem_alloc : memref<!tpu.dma_semaphore, #tpu.memory_space<semaphore_mem>>
      %dma_start3A = tpu.memref_slice %arg5[%arg0, %add3A_66] : memref<2x10240xf32, #tpu.memory_space<hbm>> -> memref<1x128xf32, #tpu.memory_space<hbm>>
      %dma_start3A_67 = tpu.memref_squeeze %dma_start3A : memref<1x128xf32, #tpu.memory_space<hbm>> -> memref<128xf32, #tpu.memory_space<hbm>>
      %dma_start3A_68 = tpu.memref_slice %arg5[%arg0, %add3A_66] : memref<2x10240xf32, #tpu.memory_space<hbm>> -> memref<1x128xf32, #tpu.memory_space<hbm>>
      %dma_start3A_69 = tpu.memref_squeeze %dma_start3A_68 : memref<1x128xf32, #tpu.memory_space<hbm>> -> memref<128xf32, #tpu.memory_space<hbm>>
      tpu.enqueue_dma source(%arg7 : memref<128xf32, #tpu.memory_space<vmem>>) target(%dma_start3A_69 : memref<128xf32, #tpu.memory_space<hbm>>) target_semaphore(%run_scoped3A : memref<!tpu.dma_semaphore, #tpu.memory_space<semaphore_mem>>)
      %dma_wait3A = tpu.memref_slice %arg5[%arg0, %add3A_66] : memref<2x10240xf32, #tpu.memory_space<hbm>> -> memref<1x128xf32, #tpu.memory_space<hbm>>
      %dma_wait3A_70 = tpu.memref_squeeze %dma_wait3A : memref<1x128xf32, #tpu.memory_space<hbm>> -> memref<128xf32, #tpu.memory_space<hbm>>
      %dma_wait3A_71 = tpu.memref_slice %arg5[%arg0, %add3A_66] : memref<2x10240xf32, #tpu.memory_space<hbm>> -> memref<1x128xf32, #tpu.memory_space<hbm>>
      %dma_wait3A_72 = tpu.memref_squeeze %dma_wait3A_71 : memref<1x128xf32, #tpu.memory_space<hbm>> -> memref<128xf32, #tpu.memory_space<hbm>>
      tpu.wait_dma2 semaphore(%run_scoped3A : memref<!tpu.dma_semaphore, #tpu.memory_space<semaphore_mem>>) src(%arg7 : memref<128xf32, #tpu.memory_space<vmem>>) dst(%dma_wait3A_72 : memref<128xf32, #tpu.memory_space<hbm>>)
      tpu.yield
    }) : () -> ()
    return
  }
}

#map = affine_map<(d0, d1) -> (0, 0)>
#map1 = affine_map<(d0, d1) -> (0, 0, 0)>
module attributes {stable_mosaic.version = 14 : i64} {
  func.func @_scatter_body(%arg0: i32, %arg1: i32, %arg2: memref<10240x128xf32, #tpu.memory_space<hbm>>, %arg3: memref<32x79x128xi32, #tpu.memory_space<hbm>>, %arg4: memref<32x79x128xi32, #tpu.memory_space<hbm>>, %arg5: memref<128x128xf32, #tpu.memory_space<hbm>>, %arg6: memref<2x10240x128xf32, #tpu.memory_space<hbm>>, %arg7: memref<79x128xi32, #tpu.memory_space<vmem>>, %arg8: memref<79x128xi32, #tpu.memory_space<vmem>>, %arg9: memref<128x128xf32, #tpu.memory_space<vmem>>, %arg10: memref<10240x128xf32, #tpu.memory_space<vmem_shared>>, %arg11: memref<!tpu.dma_semaphore, #tpu.memory_space<semaphore_mem>>) attributes {dimension_semantics = [#tpu.dimension_semantics<core_parallel>, #tpu.dimension_semantics<subcore_parallel>], iteration_bounds = array<i64: 2, 16>, scalar_prefetch = 0 : i64, scratch_operands = 5 : i64, tpu.core_type = #tpu.core_type<sc_vector_subcore>, window_params = [{transform_indices = #map}, {transform_indices = #map1}, {transform_indices = #map1}, {transform_indices = #map}, {transform_indices = #map1}]} {
    %mul3A = arith.constant 16 : i32
    %mul3A_0 = arith.muli %arg0, %mul3A : i32
    %add3A = arith.addi %mul3A_0, %arg1 : i32
    "tpu.region"() ({
      %run_scoped3A = tpu.sem_alloc : memref<!tpu.dma_semaphore, #tpu.memory_space<semaphore_mem>>
      %dma_start3A = arith.constant 0 : i32
      %dma_start3A_67 = arith.constant 0 : i32
      %dma_start3A_68 = tpu.memref_slice %arg3[%add3A, %dma_start3A, %dma_start3A_67] : memref<32x79x128xi32, #tpu.memory_space<hbm>> -> memref<1x79x128xi32, #tpu.memory_space<hbm>>
      %dma_start3A_69 = tpu.memref_squeeze %dma_start3A_68 : memref<1x79x128xi32, #tpu.memory_space<hbm>> -> memref<79x128xi32, #tpu.memory_space<hbm>>
      %dma_start3A_70 = arith.constant 0 : i32
      %dma_start3A_71 = arith.constant 0 : i32
      %dma_start3A_72 = tpu.memref_slice %arg3[%add3A, %dma_start3A_70, %dma_start3A_71] : memref<32x79x128xi32, #tpu.memory_space<hbm>> -> memref<1x79x128xi32, #tpu.memory_space<hbm>>
      %dma_start3A_73 = tpu.memref_squeeze %dma_start3A_72 : memref<1x79x128xi32, #tpu.memory_space<hbm>> -> memref<79x128xi32, #tpu.memory_space<hbm>>
      tpu.enqueue_dma source(%dma_start3A_73 : memref<79x128xi32, #tpu.memory_space<hbm>>) target(%arg7 : memref<79x128xi32, #tpu.memory_space<vmem>>) target_semaphore(%run_scoped3A : memref<!tpu.dma_semaphore, #tpu.memory_space<semaphore_mem>>)
      %dma_wait3A = arith.constant 0 : i32
      %dma_wait3A_74 = arith.constant 0 : i32
      %dma_wait3A_75 = tpu.memref_slice %arg3[%add3A, %dma_wait3A, %dma_wait3A_74] : memref<32x79x128xi32, #tpu.memory_space<hbm>> -> memref<1x79x128xi32, #tpu.memory_space<hbm>>
      %dma_wait3A_76 = tpu.memref_squeeze %dma_wait3A_75 : memref<1x79x128xi32, #tpu.memory_space<hbm>> -> memref<79x128xi32, #tpu.memory_space<hbm>>
      %dma_wait3A_77 = arith.constant 0 : i32
      %dma_wait3A_78 = arith.constant 0 : i32
      %dma_wait3A_79 = tpu.memref_slice %arg3[%add3A, %dma_wait3A_77, %dma_wait3A_78] : memref<32x79x128xi32, #tpu.memory_space<hbm>> -> memref<1x79x128xi32, #tpu.memory_space<hbm>>
      %dma_wait3A_80 = tpu.memref_squeeze %dma_wait3A_79 : memref<1x79x128xi32, #tpu.memory_space<hbm>> -> memref<79x128xi32, #tpu.memory_space<hbm>>
      tpu.wait_dma2 semaphore(%run_scoped3A : memref<!tpu.dma_semaphore, #tpu.memory_space<semaphore_mem>>) src(%dma_wait3A_80 : memref<79x128xi32, #tpu.memory_space<hbm>>) dst(%arg7 : memref<79x128xi32, #tpu.memory_space<vmem>>)
      tpu.yield
    }) : () -> ()
    "tpu.region"() ({
      %run_scoped3A = tpu.sem_alloc : memref<!tpu.dma_semaphore, #tpu.memory_space<semaphore_mem>>
      %dma_start3A = arith.constant 0 : i32
      %dma_start3A_67 = arith.constant 0 : i32
      %dma_start3A_68 = tpu.memref_slice %arg4[%add3A, %dma_start3A, %dma_start3A_67] : memref<32x79x128xi32, #tpu.memory_space<hbm>> -> memref<1x79x128xi32, #tpu.memory_space<hbm>>
      %dma_start3A_69 = tpu.memref_squeeze %dma_start3A_68 : memref<1x79x128xi32, #tpu.memory_space<hbm>> -> memref<79x128xi32, #tpu.memory_space<hbm>>
      %dma_start3A_70 = arith.constant 0 : i32
      %dma_start3A_71 = arith.constant 0 : i32
      %dma_start3A_72 = tpu.memref_slice %arg4[%add3A, %dma_start3A_70, %dma_start3A_71] : memref<32x79x128xi32, #tpu.memory_space<hbm>> -> memref<1x79x128xi32, #tpu.memory_space<hbm>>
      %dma_start3A_73 = tpu.memref_squeeze %dma_start3A_72 : memref<1x79x128xi32, #tpu.memory_space<hbm>> -> memref<79x128xi32, #tpu.memory_space<hbm>>
      tpu.enqueue_dma source(%dma_start3A_73 : memref<79x128xi32, #tpu.memory_space<hbm>>) target(%arg8 : memref<79x128xi32, #tpu.memory_space<vmem>>) target_semaphore(%run_scoped3A : memref<!tpu.dma_semaphore, #tpu.memory_space<semaphore_mem>>)
      %dma_wait3A = arith.constant 0 : i32
      %dma_wait3A_74 = arith.constant 0 : i32
      %dma_wait3A_75 = tpu.memref_slice %arg4[%add3A, %dma_wait3A, %dma_wait3A_74] : memref<32x79x128xi32, #tpu.memory_space<hbm>> -> memref<1x79x128xi32, #tpu.memory_space<hbm>>
      %dma_wait3A_76 = tpu.memref_squeeze %dma_wait3A_75 : memref<1x79x128xi32, #tpu.memory_space<hbm>> -> memref<79x128xi32, #tpu.memory_space<hbm>>
      %dma_wait3A_77 = arith.constant 0 : i32
      %dma_wait3A_78 = arith.constant 0 : i32
      %dma_wait3A_79 = tpu.memref_slice %arg4[%add3A, %dma_wait3A_77, %dma_wait3A_78] : memref<32x79x128xi32, #tpu.memory_space<hbm>> -> memref<1x79x128xi32, #tpu.memory_space<hbm>>
      %dma_wait3A_80 = tpu.memref_squeeze %dma_wait3A_79 : memref<1x79x128xi32, #tpu.memory_space<hbm>> -> memref<79x128xi32, #tpu.memory_space<hbm>>
      tpu.wait_dma2 semaphore(%run_scoped3A : memref<!tpu.dma_semaphore, #tpu.memory_space<semaphore_mem>>) src(%dma_wait3A_80 : memref<79x128xi32, #tpu.memory_space<hbm>>) dst(%arg8 : memref<79x128xi32, #tpu.memory_space<vmem>>)
      tpu.yield
    }) : () -> ()
    "tpu.region"() ({
      %run_scoped3A = tpu.sem_alloc : memref<!tpu.dma_semaphore, #tpu.memory_space<semaphore_mem>>
      tpu.enqueue_dma source(%arg5 : memref<128x128xf32, #tpu.memory_space<hbm>>) target(%arg9 : memref<128x128xf32, #tpu.memory_space<vmem>>) target_semaphore(%run_scoped3A : memref<!tpu.dma_semaphore, #tpu.memory_space<semaphore_mem>>)
      tpu.wait_dma2 semaphore(%run_scoped3A : memref<!tpu.dma_semaphore, #tpu.memory_space<semaphore_mem>>) src(%arg5 : memref<128x128xf32, #tpu.memory_space<hbm>>) dst(%arg9 : memref<128x128xf32, #tpu.memory_space<vmem>>)
      tpu.yield
    }) : () -> ()
    %mul3A_1 = arith.constant 640 : i32
    %mul3A_2 = arith.muli %arg1, %mul3A_1 : i32
    %add3A_3 = arith.constant 0 : i32
    %add3A_4 = arith.addi %mul3A_2, %add3A_3 : i32
    "tpu.region"() ({
      %run_scoped3A = tpu.sem_alloc : memref<!tpu.dma_semaphore, #tpu.memory_space<semaphore_mem>>
      %dma_start3A = arith.constant 0 : i32
      %dma_start3A_67 = tpu.memref_slice %arg10[%add3A_4, %dma_start3A] : memref<10240x128xf32, #tpu.memory_space<vmem_shared>> -> memref<128x128xf32, #tpu.memory_space<vmem_shared>>
      %dma_start3A_68 = arith.constant 0 : i32
      %dma_start3A_69 = tpu.memref_slice %arg10[%add3A_4, %dma_start3A_68] : memref<10240x128xf32, #tpu.memory_space<vmem_shared>> -> memref<128x128xf32, #tpu.memory_space<vmem_shared>>
      tpu.enqueue_dma source(%arg9 : memref<128x128xf32, #tpu.memory_space<vmem>>) target(%dma_start3A_69 : memref<128x128xf32, #tpu.memory_space<vmem_shared>>) target_semaphore(%run_scoped3A : memref<!tpu.dma_semaphore, #tpu.memory_space<semaphore_mem>>)
      %dma_wait3A = arith.constant 0 : i32
      %dma_wait3A_70 = tpu.memref_slice %arg10[%add3A_4, %dma_wait3A] : memref<10240x128xf32, #tpu.memory_space<vmem_shared>> -> memref<128x128xf32, #tpu.memory_space<vmem_shared>>
      %dma_wait3A_71 = arith.constant 0 : i32
      %dma_wait3A_72 = tpu.memref_slice %arg10[%add3A_4, %dma_wait3A_71] : memref<10240x128xf32, #tpu.memory_space<vmem_shared>> -> memref<128x128xf32, #tpu.memory_space<vmem_shared>>
      tpu.wait_dma2 semaphore(%run_scoped3A : memref<!tpu.dma_semaphore, #tpu.memory_space<semaphore_mem>>) src(%arg9 : memref<128x128xf32, #tpu.memory_space<vmem>>) dst(%dma_wait3A_72 : memref<128x128xf32, #tpu.memory_space<vmem_shared>>)
      tpu.yield
    }) : () -> ()
    %mul3A_5 = arith.constant 640 : i32
    %mul3A_6 = arith.muli %arg1, %mul3A_5 : i32
    %add3A_7 = arith.constant 128 : i32
    %add3A_8 = arith.addi %mul3A_6, %add3A_7 : i32
    "tpu.region"() ({
      %run_scoped3A = tpu.sem_alloc : memref<!tpu.dma_semaphore, #tpu.memory_space<semaphore_mem>>
      %dma_start3A = arith.constant 0 : i32
      %dma_start3A_67 = tpu.memref_slice %arg10[%add3A_8, %dma_start3A] : memref<10240x128xf32, #tpu.memory_space<vmem_shared>> -> memref<128x128xf32, #tpu.memory_space<vmem_shared>>
      %dma_start3A_68 = arith.constant 0 : i32
      %dma_start3A_69 = tpu.memref_slice %arg10[%add3A_8, %dma_start3A_68] : memref<10240x128xf32, #tpu.memory_space<vmem_shared>> -> memref<128x128xf32, #tpu.memory_space<vmem_shared>>
      tpu.enqueue_dma source(%arg9 : memref<128x128xf32, #tpu.memory_space<vmem>>) target(%dma_start3A_69 : memref<128x128xf32, #tpu.memory_space<vmem_shared>>) target_semaphore(%run_scoped3A : memref<!tpu.dma_semaphore, #tpu.memory_space<semaphore_mem>>)
      %dma_wait3A = arith.constant 0 : i32
      %dma_wait3A_70 = tpu.memref_slice %arg10[%add3A_8, %dma_wait3A] : memref<10240x128xf32, #tpu.memory_space<vmem_shared>> -> memref<128x128xf32, #tpu.memory_space<vmem_shared>>
      %dma_wait3A_71 = arith.constant 0 : i32
      %dma_wait3A_72 = tpu.memref_slice %arg10[%add3A_8, %dma_wait3A_71] : memref<10240x128xf32, #tpu.memory_space<vmem_shared>> -> memref<128x128xf32, #tpu.memory_space<vmem_shared>>
      tpu.wait_dma2 semaphore(%run_scoped3A : memref<!tpu.dma_semaphore, #tpu.memory_space<semaphore_mem>>) src(%arg9 : memref<128x128xf32, #tpu.memory_space<vmem>>) dst(%dma_wait3A_72 : memref<128x128xf32, #tpu.memory_space<vmem_shared>>)
      tpu.yield
    }) : () -> ()
    %mul3A_9 = arith.constant 640 : i32
    %mul3A_10 = arith.muli %arg1, %mul3A_9 : i32
    %add3A_11 = arith.constant 256 : i32
    %add3A_12 = arith.addi %mul3A_10, %add3A_11 : i32
    "tpu.region"() ({
      %run_scoped3A = tpu.sem_alloc : memref<!tpu.dma_semaphore, #tpu.memory_space<semaphore_mem>>
      %dma_start3A = arith.constant 0 : i32
      %dma_start3A_67 = tpu.memref_slice %arg10[%add3A_12, %dma_start3A] : memref<10240x128xf32, #tpu.memory_space<vmem_shared>> -> memref<128x128xf32, #tpu.memory_space<vmem_shared>>
      %dma_start3A_68 = arith.constant 0 : i32
      %dma_start3A_69 = tpu.memref_slice %arg10[%add3A_12, %dma_start3A_68] : memref<10240x128xf32, #tpu.memory_space<vmem_shared>> -> memref<128x128xf32, #tpu.memory_space<vmem_shared>>
      tpu.enqueue_dma source(%arg9 : memref<128x128xf32, #tpu.memory_space<vmem>>) target(%dma_start3A_69 : memref<128x128xf32, #tpu.memory_space<vmem_shared>>) target_semaphore(%run_scoped3A : memref<!tpu.dma_semaphore, #tpu.memory_space<semaphore_mem>>)
      %dma_wait3A = arith.constant 0 : i32
      %dma_wait3A_70 = tpu.memref_slice %arg10[%add3A_12, %dma_wait3A] : memref<10240x128xf32, #tpu.memory_space<vmem_shared>> -> memref<128x128xf32, #tpu.memory_space<vmem_shared>>
      %dma_wait3A_71 = arith.constant 0 : i32
      %dma_wait3A_72 = tpu.memref_slice %arg10[%add3A_12, %dma_wait3A_71] : memref<10240x128xf32, #tpu.memory_space<vmem_shared>> -> memref<128x128xf32, #tpu.memory_space<vmem_shared>>
      tpu.wait_dma2 semaphore(%run_scoped3A : memref<!tpu.dma_semaphore, #tpu.memory_space<semaphore_mem>>) src(%arg9 : memref<128x128xf32, #tpu.memory_space<vmem>>) dst(%dma_wait3A_72 : memref<128x128xf32, #tpu.memory_space<vmem_shared>>)
      tpu.yield
    }) : () -> ()
    %mul3A_13 = arith.constant 640 : i32
    %mul3A_14 = arith.muli %arg1, %mul3A_13 : i32
    %add3A_15 = arith.constant 384 : i32
    %add3A_16 = arith.addi %mul3A_14, %add3A_15 : i32
    "tpu.region"() ({
      %run_scoped3A = tpu.sem_alloc : memref<!tpu.dma_semaphore, #tpu.memory_space<semaphore_mem>>
      %dma_start3A = arith.constant 0 : i32
      %dma_start3A_67 = tpu.memref_slice %arg10[%add3A_16, %dma_start3A] : memref<10240x128xf32, #tpu.memory_space<vmem_shared>> -> memref<128x128xf32, #tpu.memory_space<vmem_shared>>
      %dma_start3A_68 = arith.constant 0 : i32
      %dma_start3A_69 = tpu.memref_slice %arg10[%add3A_16, %dma_start3A_68] : memref<10240x128xf32, #tpu.memory_space<vmem_shared>> -> memref<128x128xf32, #tpu.memory_space<vmem_shared>>
      tpu.enqueue_dma source(%arg9 : memref<128x128xf32, #tpu.memory_space<vmem>>) target(%dma_start3A_69 : memref<128x128xf32, #tpu.memory_space<vmem_shared>>) target_semaphore(%run_scoped3A : memref<!tpu.dma_semaphore, #tpu.memory_space<semaphore_mem>>)
      %dma_wait3A = arith.constant 0 : i32
      %dma_wait3A_70 = tpu.memref_slice %arg10[%add3A_16, %dma_wait3A] : memref<10240x128xf32, #tpu.memory_space<vmem_shared>> -> memref<128x128xf32, #tpu.memory_space<vmem_shared>>
      %dma_wait3A_71 = arith.constant 0 : i32
      %dma_wait3A_72 = tpu.memref_slice %arg10[%add3A_16, %dma_wait3A_71] : memref<10240x128xf32, #tpu.memory_space<vmem_shared>> -> memref<128x128xf32, #tpu.memory_space<vmem_shared>>
      tpu.wait_dma2 semaphore(%run_scoped3A : memref<!tpu.dma_semaphore, #tpu.memory_space<semaphore_mem>>) src(%arg9 : memref<128x128xf32, #tpu.memory_space<vmem>>) dst(%dma_wait3A_72 : memref<128x128xf32, #tpu.memory_space<vmem_shared>>)
      tpu.yield
    }) : () -> ()
    %mul3A_17 = arith.constant 640 : i32
    %mul3A_18 = arith.muli %arg1, %mul3A_17 : i32
    %add3A_19 = arith.constant 512 : i32
    %add3A_20 = arith.addi %mul3A_18, %add3A_19 : i32
    "tpu.region"() ({
      %run_scoped3A = tpu.sem_alloc : memref<!tpu.dma_semaphore, #tpu.memory_space<semaphore_mem>>
      %dma_start3A = arith.constant 0 : i32
      %dma_start3A_67 = tpu.memref_slice %arg10[%add3A_20, %dma_start3A] : memref<10240x128xf32, #tpu.memory_space<vmem_shared>> -> memref<128x128xf32, #tpu.memory_space<vmem_shared>>
      %dma_start3A_68 = arith.constant 0 : i32
      %dma_start3A_69 = tpu.memref_slice %arg10[%add3A_20, %dma_start3A_68] : memref<10240x128xf32, #tpu.memory_space<vmem_shared>> -> memref<128x128xf32, #tpu.memory_space<vmem_shared>>
      tpu.enqueue_dma source(%arg9 : memref<128x128xf32, #tpu.memory_space<vmem>>) target(%dma_start3A_69 : memref<128x128xf32, #tpu.memory_space<vmem_shared>>) target_semaphore(%run_scoped3A : memref<!tpu.dma_semaphore, #tpu.memory_space<semaphore_mem>>)
      %dma_wait3A = arith.constant 0 : i32
      %dma_wait3A_70 = tpu.memref_slice %arg10[%add3A_20, %dma_wait3A] : memref<10240x128xf32, #tpu.memory_space<vmem_shared>> -> memref<128x128xf32, #tpu.memory_space<vmem_shared>>
      %dma_wait3A_71 = arith.constant 0 : i32
      %dma_wait3A_72 = tpu.memref_slice %arg10[%add3A_20, %dma_wait3A_71] : memref<10240x128xf32, #tpu.memory_space<vmem_shared>> -> memref<128x128xf32, #tpu.memory_space<vmem_shared>>
      tpu.wait_dma2 semaphore(%run_scoped3A : memref<!tpu.dma_semaphore, #tpu.memory_space<semaphore_mem>>) src(%arg9 : memref<128x128xf32, #tpu.memory_space<vmem>>) dst(%dma_wait3A_72 : memref<128x128xf32, #tpu.memory_space<vmem_shared>>)
      tpu.yield
    }) : () -> ()
    %barrier3A = arith.constant 0 : index
    tpu.barrier barrier_id(%barrier3A)
    %scan3A = arith.constant 0 : i32
    %scan3A_21 = arith.constant 0 : i32
    %scan3A_22 = arith.constant 79 : i32
    %scan3A_23 = arith.addi %scan3A_21, %scan3A_22 : i32
    %scan3A_24 = arith.constant 1 : i32
    scf.for %scan3A_67 = %scan3A_21 to %scan3A_23 step %scan3A_24  : i32 {
      %dma_start3A = arith.constant 0 : i32
      %dma_start3A_68 = tpu.memref_slice %arg7[%scan3A_67, %dma_start3A] : memref<79x128xi32, #tpu.memory_space<vmem>> -> memref<1x128xi32, #tpu.memory_space<vmem>>
      %dma_start3A_69 = tpu.memref_squeeze %dma_start3A_68 : memref<1x128xi32, #tpu.memory_space<vmem>> -> memref<128xi32, #tpu.memory_space<vmem>>
      %dma_start3A_70 = arith.constant 0 : i32
      %dma_start3A_71 = arith.constant 0 : i32
      %dma_start3A_72 = tpu.memref_slice %arg2[%dma_start3A_70, %dma_start3A_71] : memref<10240x128xf32, #tpu.memory_space<hbm>> -> memref<10240x128xf32, #tpu.memory_space<hbm>>
      tpu.enqueue_indirect_dma source(%dma_start3A_72 : memref<10240x128xf32, #tpu.memory_space<hbm>>) target(%arg9 : memref<128x128xf32, #tpu.memory_space<vmem>>) offsets(%dma_start3A_69 : memref<128xi32, #tpu.memory_space<vmem>>) semaphore(%arg11 : memref<!tpu.dma_semaphore, #tpu.memory_space<semaphore_mem>>)
      %dma_wait3A = arith.constant 0 : i32
      %dma_wait3A_73 = tpu.memref_slice %arg7[%scan3A_67, %dma_wait3A] : memref<79x128xi32, #tpu.memory_space<vmem>> -> memref<1x128xi32, #tpu.memory_space<vmem>>
      %dma_wait3A_74 = tpu.memref_squeeze %dma_wait3A_73 : memref<1x128xi32, #tpu.memory_space<vmem>> -> memref<128xi32, #tpu.memory_space<vmem>>
      %dma_wait3A_75 = arith.constant 0 : i32
      %dma_wait3A_76 = arith.constant 0 : i32
      %dma_wait3A_77 = tpu.memref_slice %arg2[%dma_wait3A_75, %dma_wait3A_76] : memref<10240x128xf32, #tpu.memory_space<hbm>> -> memref<10240x128xf32, #tpu.memory_space<hbm>>
      tpu.wait_indirect_dma semaphore(%arg11 : memref<!tpu.dma_semaphore, #tpu.memory_space<semaphore_mem>>) src(%dma_wait3A_77 : memref<10240x128xf32, #tpu.memory_space<hbm>>) dst(%arg9 : memref<128x128xf32, #tpu.memory_space<vmem>>)
      "tpu.region"() ({
        %run_scoped3A = tpu.sem_alloc : memref<!tpu.dma_semaphore, #tpu.memory_space<semaphore_mem>>
        %dma_start3A_78 = arith.constant 0 : i32
        %dma_start3A_79 = tpu.memref_slice %arg8[%scan3A_67, %dma_start3A_78] : memref<79x128xi32, #tpu.memory_space<vmem>> -> memref<1x128xi32, #tpu.memory_space<vmem>>
        %dma_start3A_80 = tpu.memref_squeeze %dma_start3A_79 : memref<1x128xi32, #tpu.memory_space<vmem>> -> memref<128xi32, #tpu.memory_space<vmem>>
        %dma_start3A_81 = arith.constant 0 : i32
        %dma_start3A_82 = arith.constant 0 : i32
        %dma_start3A_83 = tpu.memref_slice %arg10[%dma_start3A_81, %dma_start3A_82] : memref<10240x128xf32, #tpu.memory_space<vmem_shared>> -> memref<10240x128xf32, #tpu.memory_space<vmem_shared>>
        tpu.enqueue_indirect_dma source(%arg9 : memref<128x128xf32, #tpu.memory_space<vmem>>) target(%dma_start3A_83 : memref<10240x128xf32, #tpu.memory_space<vmem_shared>>) offsets(%dma_start3A_80 : memref<128xi32, #tpu.memory_space<vmem>>) semaphore(%run_scoped3A : memref<!tpu.dma_semaphore, #tpu.memory_space<semaphore_mem>>) {add = true}
        %dma_wait3A_84 = arith.constant 0 : i32
        %dma_wait3A_85 = tpu.memref_slice %arg8[%scan3A_67, %dma_wait3A_84] : memref<79x128xi32, #tpu.memory_space<vmem>> -> memref<1x128xi32, #tpu.memory_space<vmem>>
        %dma_wait3A_86 = tpu.memref_squeeze %dma_wait3A_85 : memref<1x128xi32, #tpu.memory_space<vmem>> -> memref<128xi32, #tpu.memory_space<vmem>>
        %dma_wait3A_87 = arith.constant 0 : i32
        %dma_wait3A_88 = arith.constant 0 : i32
        %dma_wait3A_89 = tpu.memref_slice %arg10[%dma_wait3A_87, %dma_wait3A_88] : memref<10240x128xf32, #tpu.memory_space<vmem_shared>> -> memref<10240x128xf32, #tpu.memory_space<vmem_shared>>
        tpu.wait_indirect_dma semaphore(%run_scoped3A : memref<!tpu.dma_semaphore, #tpu.memory_space<semaphore_mem>>) src(%arg9 : memref<128x128xf32, #tpu.memory_space<vmem>>) dst(%dma_wait3A_89 : memref<10240x128xf32, #tpu.memory_space<vmem_shared>>)
        tpu.yield
      }) : () -> ()
    }
    %scan3A_25 = arith.constant 79 : i32
    %barrier3A_26 = arith.constant 0 : index
    tpu.barrier barrier_id(%barrier3A_26)
    %mul3A_27 = arith.constant 640 : i32
    %mul3A_28 = arith.muli %arg1, %mul3A_27 : i32
    %add3A_29 = arith.constant 0 : i32
    %add3A_30 = arith.addi %mul3A_28, %add3A_29 : i32
    "tpu.region"() ({
      %run_scoped3A = tpu.sem_alloc : memref<!tpu.dma_semaphore, #tpu.memory_space<semaphore_mem>>
      %dma_start3A = arith.constant 0 : i32
      %dma_start3A_67 = tpu.memref_slice %arg10[%add3A_30, %dma_start3A] : memref<10240x128xf32, #tpu.memory_space<vmem_shared>> -> memref<128x128xf32, #tpu.memory_space<vmem_shared>>
      %dma_start3A_68 = arith.constant 0 : i32
      %dma_start3A_69 = tpu.memref_slice %arg10[%add3A_30, %dma_start3A_68] : memref<10240x128xf32, #tpu.memory_space<vmem_shared>> -> memref<128x128xf32, #tpu.memory_space<vmem_shared>>
      tpu.enqueue_dma source(%dma_start3A_69 : memref<128x128xf32, #tpu.memory_space<vmem_shared>>) target(%arg9 : memref<128x128xf32, #tpu.memory_space<vmem>>) target_semaphore(%run_scoped3A : memref<!tpu.dma_semaphore, #tpu.memory_space<semaphore_mem>>)
      %dma_wait3A = arith.constant 0 : i32
      %dma_wait3A_70 = tpu.memref_slice %arg10[%add3A_30, %dma_wait3A] : memref<10240x128xf32, #tpu.memory_space<vmem_shared>> -> memref<128x128xf32, #tpu.memory_space<vmem_shared>>
      %dma_wait3A_71 = arith.constant 0 : i32
      %dma_wait3A_72 = tpu.memref_slice %arg10[%add3A_30, %dma_wait3A_71] : memref<10240x128xf32, #tpu.memory_space<vmem_shared>> -> memref<128x128xf32, #tpu.memory_space<vmem_shared>>
      tpu.wait_dma2 semaphore(%run_scoped3A : memref<!tpu.dma_semaphore, #tpu.memory_space<semaphore_mem>>) src(%dma_wait3A_72 : memref<128x128xf32, #tpu.memory_space<vmem_shared>>) dst(%arg9 : memref<128x128xf32, #tpu.memory_space<vmem>>)
      tpu.yield
    }) : () -> ()
    %mul3A_31 = arith.constant 640 : i32
    %mul3A_32 = arith.muli %arg1, %mul3A_31 : i32
    %add3A_33 = arith.constant 0 : i32
    %add3A_34 = arith.addi %mul3A_32, %add3A_33 : i32
    "tpu.region"() ({
      %run_scoped3A = tpu.sem_alloc : memref<!tpu.dma_semaphore, #tpu.memory_space<semaphore_mem>>
      %dma_start3A = arith.constant 0 : i32
      %dma_start3A_67 = tpu.memref_slice %arg6[%arg0, %add3A_34, %dma_start3A] : memref<2x10240x128xf32, #tpu.memory_space<hbm>> -> memref<1x128x128xf32, #tpu.memory_space<hbm>>
      %dma_start3A_68 = tpu.memref_squeeze %dma_start3A_67 : memref<1x128x128xf32, #tpu.memory_space<hbm>> -> memref<128x128xf32, #tpu.memory_space<hbm>>
      %dma_start3A_69 = arith.constant 0 : i32
      %dma_start3A_70 = tpu.memref_slice %arg6[%arg0, %add3A_34, %dma_start3A_69] : memref<2x10240x128xf32, #tpu.memory_space<hbm>> -> memref<1x128x128xf32, #tpu.memory_space<hbm>>
      %dma_start3A_71 = tpu.memref_squeeze %dma_start3A_70 : memref<1x128x128xf32, #tpu.memory_space<hbm>> -> memref<128x128xf32, #tpu.memory_space<hbm>>
      tpu.enqueue_dma source(%arg9 : memref<128x128xf32, #tpu.memory_space<vmem>>) target(%dma_start3A_71 : memref<128x128xf32, #tpu.memory_space<hbm>>) target_semaphore(%run_scoped3A : memref<!tpu.dma_semaphore, #tpu.memory_space<semaphore_mem>>)
      %dma_wait3A = arith.constant 0 : i32
      %dma_wait3A_72 = tpu.memref_slice %arg6[%arg0, %add3A_34, %dma_wait3A] : memref<2x10240x128xf32, #tpu.memory_space<hbm>> -> memref<1x128x128xf32, #tpu.memory_space<hbm>>
      %dma_wait3A_73 = tpu.memref_squeeze %dma_wait3A_72 : memref<1x128x128xf32, #tpu.memory_space<hbm>> -> memref<128x128xf32, #tpu.memory_space<hbm>>
      %dma_wait3A_74 = arith.constant 0 : i32
      %dma_wait3A_75 = tpu.memref_slice %arg6[%arg0, %add3A_34, %dma_wait3A_74] : memref<2x10240x128xf32, #tpu.memory_space<hbm>> -> memref<1x128x128xf32, #tpu.memory_space<hbm>>
      %dma_wait3A_76 = tpu.memref_squeeze %dma_wait3A_75 : memref<1x128x128xf32, #tpu.memory_space<hbm>> -> memref<128x128xf32, #tpu.memory_space<hbm>>
      tpu.wait_dma2 semaphore(%run_scoped3A : memref<!tpu.dma_semaphore, #tpu.memory_space<semaphore_mem>>) src(%arg9 : memref<128x128xf32, #tpu.memory_space<vmem>>) dst(%dma_wait3A_76 : memref<128x128xf32, #tpu.memory_space<hbm>>)
      tpu.yield
    }) : () -> ()
    %mul3A_35 = arith.constant 640 : i32
    %mul3A_36 = arith.muli %arg1, %mul3A_35 : i32
    %add3A_37 = arith.constant 128 : i32
    %add3A_38 = arith.addi %mul3A_36, %add3A_37 : i32
    "tpu.region"() ({
      %run_scoped3A = tpu.sem_alloc : memref<!tpu.dma_semaphore, #tpu.memory_space<semaphore_mem>>
      %dma_start3A = arith.constant 0 : i32
      %dma_start3A_67 = tpu.memref_slice %arg10[%add3A_38, %dma_start3A] : memref<10240x128xf32, #tpu.memory_space<vmem_shared>> -> memref<128x128xf32, #tpu.memory_space<vmem_shared>>
      %dma_start3A_68 = arith.constant 0 : i32
      %dma_start3A_69 = tpu.memref_slice %arg10[%add3A_38, %dma_start3A_68] : memref<10240x128xf32, #tpu.memory_space<vmem_shared>> -> memref<128x128xf32, #tpu.memory_space<vmem_shared>>
      tpu.enqueue_dma source(%dma_start3A_69 : memref<128x128xf32, #tpu.memory_space<vmem_shared>>) target(%arg9 : memref<128x128xf32, #tpu.memory_space<vmem>>) target_semaphore(%run_scoped3A : memref<!tpu.dma_semaphore, #tpu.memory_space<semaphore_mem>>)
      %dma_wait3A = arith.constant 0 : i32
      %dma_wait3A_70 = tpu.memref_slice %arg10[%add3A_38, %dma_wait3A] : memref<10240x128xf32, #tpu.memory_space<vmem_shared>> -> memref<128x128xf32, #tpu.memory_space<vmem_shared>>
      %dma_wait3A_71 = arith.constant 0 : i32
      %dma_wait3A_72 = tpu.memref_slice %arg10[%add3A_38, %dma_wait3A_71] : memref<10240x128xf32, #tpu.memory_space<vmem_shared>> -> memref<128x128xf32, #tpu.memory_space<vmem_shared>>
      tpu.wait_dma2 semaphore(%run_scoped3A : memref<!tpu.dma_semaphore, #tpu.memory_space<semaphore_mem>>) src(%dma_wait3A_72 : memref<128x128xf32, #tpu.memory_space<vmem_shared>>) dst(%arg9 : memref<128x128xf32, #tpu.memory_space<vmem>>)
      tpu.yield
    }) : () -> ()
    %mul3A_39 = arith.constant 640 : i32
    %mul3A_40 = arith.muli %arg1, %mul3A_39 : i32
    %add3A_41 = arith.constant 128 : i32
    %add3A_42 = arith.addi %mul3A_40, %add3A_41 : i32
    "tpu.region"() ({
      %run_scoped3A = tpu.sem_alloc : memref<!tpu.dma_semaphore, #tpu.memory_space<semaphore_mem>>
      %dma_start3A = arith.constant 0 : i32
      %dma_start3A_67 = tpu.memref_slice %arg6[%arg0, %add3A_42, %dma_start3A] : memref<2x10240x128xf32, #tpu.memory_space<hbm>> -> memref<1x128x128xf32, #tpu.memory_space<hbm>>
      %dma_start3A_68 = tpu.memref_squeeze %dma_start3A_67 : memref<1x128x128xf32, #tpu.memory_space<hbm>> -> memref<128x128xf32, #tpu.memory_space<hbm>>
      %dma_start3A_69 = arith.constant 0 : i32
      %dma_start3A_70 = tpu.memref_slice %arg6[%arg0, %add3A_42, %dma_start3A_69] : memref<2x10240x128xf32, #tpu.memory_space<hbm>> -> memref<1x128x128xf32, #tpu.memory_space<hbm>>
      %dma_start3A_71 = tpu.memref_squeeze %dma_start3A_70 : memref<1x128x128xf32, #tpu.memory_space<hbm>> -> memref<128x128xf32, #tpu.memory_space<hbm>>
      tpu.enqueue_dma source(%arg9 : memref<128x128xf32, #tpu.memory_space<vmem>>) target(%dma_start3A_71 : memref<128x128xf32, #tpu.memory_space<hbm>>) target_semaphore(%run_scoped3A : memref<!tpu.dma_semaphore, #tpu.memory_space<semaphore_mem>>)
      %dma_wait3A = arith.constant 0 : i32
      %dma_wait3A_72 = tpu.memref_slice %arg6[%arg0, %add3A_42, %dma_wait3A] : memref<2x10240x128xf32, #tpu.memory_space<hbm>> -> memref<1x128x128xf32, #tpu.memory_space<hbm>>
      %dma_wait3A_73 = tpu.memref_squeeze %dma_wait3A_72 : memref<1x128x128xf32, #tpu.memory_space<hbm>> -> memref<128x128xf32, #tpu.memory_space<hbm>>
      %dma_wait3A_74 = arith.constant 0 : i32
      %dma_wait3A_75 = tpu.memref_slice %arg6[%arg0, %add3A_42, %dma_wait3A_74] : memref<2x10240x128xf32, #tpu.memory_space<hbm>> -> memref<1x128x128xf32, #tpu.memory_space<hbm>>
      %dma_wait3A_76 = tpu.memref_squeeze %dma_wait3A_75 : memref<1x128x128xf32, #tpu.memory_space<hbm>> -> memref<128x128xf32, #tpu.memory_space<hbm>>
      tpu.wait_dma2 semaphore(%run_scoped3A : memref<!tpu.dma_semaphore, #tpu.memory_space<semaphore_mem>>) src(%arg9 : memref<128x128xf32, #tpu.memory_space<vmem>>) dst(%dma_wait3A_76 : memref<128x128xf32, #tpu.memory_space<hbm>>)
      tpu.yield
    }) : () -> ()
    %mul3A_43 = arith.constant 640 : i32
    %mul3A_44 = arith.muli %arg1, %mul3A_43 : i32
    %add3A_45 = arith.constant 256 : i32
    %add3A_46 = arith.addi %mul3A_44, %add3A_45 : i32
    "tpu.region"() ({
      %run_scoped3A = tpu.sem_alloc : memref<!tpu.dma_semaphore, #tpu.memory_space<semaphore_mem>>
      %dma_start3A = arith.constant 0 : i32
      %dma_start3A_67 = tpu.memref_slice %arg10[%add3A_46, %dma_start3A] : memref<10240x128xf32, #tpu.memory_space<vmem_shared>> -> memref<128x128xf32, #tpu.memory_space<vmem_shared>>
      %dma_start3A_68 = arith.constant 0 : i32
      %dma_start3A_69 = tpu.memref_slice %arg10[%add3A_46, %dma_start3A_68] : memref<10240x128xf32, #tpu.memory_space<vmem_shared>> -> memref<128x128xf32, #tpu.memory_space<vmem_shared>>
      tpu.enqueue_dma source(%dma_start3A_69 : memref<128x128xf32, #tpu.memory_space<vmem_shared>>) target(%arg9 : memref<128x128xf32, #tpu.memory_space<vmem>>) target_semaphore(%run_scoped3A : memref<!tpu.dma_semaphore, #tpu.memory_space<semaphore_mem>>)
      %dma_wait3A = arith.constant 0 : i32
      %dma_wait3A_70 = tpu.memref_slice %arg10[%add3A_46, %dma_wait3A] : memref<10240x128xf32, #tpu.memory_space<vmem_shared>> -> memref<128x128xf32, #tpu.memory_space<vmem_shared>>
      %dma_wait3A_71 = arith.constant 0 : i32
      %dma_wait3A_72 = tpu.memref_slice %arg10[%add3A_46, %dma_wait3A_71] : memref<10240x128xf32, #tpu.memory_space<vmem_shared>> -> memref<128x128xf32, #tpu.memory_space<vmem_shared>>
      tpu.wait_dma2 semaphore(%run_scoped3A : memref<!tpu.dma_semaphore, #tpu.memory_space<semaphore_mem>>) src(%dma_wait3A_72 : memref<128x128xf32, #tpu.memory_space<vmem_shared>>) dst(%arg9 : memref<128x128xf32, #tpu.memory_space<vmem>>)
      tpu.yield
    }) : () -> ()
    %mul3A_47 = arith.constant 640 : i32
    %mul3A_48 = arith.muli %arg1, %mul3A_47 : i32
    %add3A_49 = arith.constant 256 : i32
    %add3A_50 = arith.addi %mul3A_48, %add3A_49 : i32
    "tpu.region"() ({
      %run_scoped3A = tpu.sem_alloc : memref<!tpu.dma_semaphore, #tpu.memory_space<semaphore_mem>>
      %dma_start3A = arith.constant 0 : i32
      %dma_start3A_67 = tpu.memref_slice %arg6[%arg0, %add3A_50, %dma_start3A] : memref<2x10240x128xf32, #tpu.memory_space<hbm>> -> memref<1x128x128xf32, #tpu.memory_space<hbm>>
      %dma_start3A_68 = tpu.memref_squeeze %dma_start3A_67 : memref<1x128x128xf32, #tpu.memory_space<hbm>> -> memref<128x128xf32, #tpu.memory_space<hbm>>
      %dma_start3A_69 = arith.constant 0 : i32
      %dma_start3A_70 = tpu.memref_slice %arg6[%arg0, %add3A_50, %dma_start3A_69] : memref<2x10240x128xf32, #tpu.memory_space<hbm>> -> memref<1x128x128xf32, #tpu.memory_space<hbm>>
      %dma_start3A_71 = tpu.memref_squeeze %dma_start3A_70 : memref<1x128x128xf32, #tpu.memory_space<hbm>> -> memref<128x128xf32, #tpu.memory_space<hbm>>
      tpu.enqueue_dma source(%arg9 : memref<128x128xf32, #tpu.memory_space<vmem>>) target(%dma_start3A_71 : memref<128x128xf32, #tpu.memory_space<hbm>>) target_semaphore(%run_scoped3A : memref<!tpu.dma_semaphore, #tpu.memory_space<semaphore_mem>>)
      %dma_wait3A = arith.constant 0 : i32
      %dma_wait3A_72 = tpu.memref_slice %arg6[%arg0, %add3A_50, %dma_wait3A] : memref<2x10240x128xf32, #tpu.memory_space<hbm>> -> memref<1x128x128xf32, #tpu.memory_space<hbm>>
      %dma_wait3A_73 = tpu.memref_squeeze %dma_wait3A_72 : memref<1x128x128xf32, #tpu.memory_space<hbm>> -> memref<128x128xf32, #tpu.memory_space<hbm>>
      %dma_wait3A_74 = arith.constant 0 : i32
      %dma_wait3A_75 = tpu.memref_slice %arg6[%arg0, %add3A_50, %dma_wait3A_74] : memref<2x10240x128xf32, #tpu.memory_space<hbm>> -> memref<1x128x128xf32, #tpu.memory_space<hbm>>
      %dma_wait3A_76 = tpu.memref_squeeze %dma_wait3A_75 : memref<1x128x128xf32, #tpu.memory_space<hbm>> -> memref<128x128xf32, #tpu.memory_space<hbm>>
      tpu.wait_dma2 semaphore(%run_scoped3A : memref<!tpu.dma_semaphore, #tpu.memory_space<semaphore_mem>>) src(%arg9 : memref<128x128xf32, #tpu.memory_space<vmem>>) dst(%dma_wait3A_76 : memref<128x128xf32, #tpu.memory_space<hbm>>)
      tpu.yield
    }) : () -> ()
    %mul3A_51 = arith.constant 640 : i32
    %mul3A_52 = arith.muli %arg1, %mul3A_51 : i32
    %add3A_53 = arith.constant 384 : i32
    %add3A_54 = arith.addi %mul3A_52, %add3A_53 : i32
    "tpu.region"() ({
      %run_scoped3A = tpu.sem_alloc : memref<!tpu.dma_semaphore, #tpu.memory_space<semaphore_mem>>
      %dma_start3A = arith.constant 0 : i32
      %dma_start3A_67 = tpu.memref_slice %arg10[%add3A_54, %dma_start3A] : memref<10240x128xf32, #tpu.memory_space<vmem_shared>> -> memref<128x128xf32, #tpu.memory_space<vmem_shared>>
      %dma_start3A_68 = arith.constant 0 : i32
      %dma_start3A_69 = tpu.memref_slice %arg10[%add3A_54, %dma_start3A_68] : memref<10240x128xf32, #tpu.memory_space<vmem_shared>> -> memref<128x128xf32, #tpu.memory_space<vmem_shared>>
      tpu.enqueue_dma source(%dma_start3A_69 : memref<128x128xf32, #tpu.memory_space<vmem_shared>>) target(%arg9 : memref<128x128xf32, #tpu.memory_space<vmem>>) target_semaphore(%run_scoped3A : memref<!tpu.dma_semaphore, #tpu.memory_space<semaphore_mem>>)
      %dma_wait3A = arith.constant 0 : i32
      %dma_wait3A_70 = tpu.memref_slice %arg10[%add3A_54, %dma_wait3A] : memref<10240x128xf32, #tpu.memory_space<vmem_shared>> -> memref<128x128xf32, #tpu.memory_space<vmem_shared>>
      %dma_wait3A_71 = arith.constant 0 : i32
      %dma_wait3A_72 = tpu.memref_slice %arg10[%add3A_54, %dma_wait3A_71] : memref<10240x128xf32, #tpu.memory_space<vmem_shared>> -> memref<128x128xf32, #tpu.memory_space<vmem_shared>>
      tpu.wait_dma2 semaphore(%run_scoped3A : memref<!tpu.dma_semaphore, #tpu.memory_space<semaphore_mem>>) src(%dma_wait3A_72 : memref<128x128xf32, #tpu.memory_space<vmem_shared>>) dst(%arg9 : memref<128x128xf32, #tpu.memory_space<vmem>>)
      tpu.yield
    }) : () -> ()
    %mul3A_55 = arith.constant 640 : i32
    %mul3A_56 = arith.muli %arg1, %mul3A_55 : i32
    %add3A_57 = arith.constant 384 : i32
    %add3A_58 = arith.addi %mul3A_56, %add3A_57 : i32
    "tpu.region"() ({
      %run_scoped3A = tpu.sem_alloc : memref<!tpu.dma_semaphore, #tpu.memory_space<semaphore_mem>>
      %dma_start3A = arith.constant 0 : i32
      %dma_start3A_67 = tpu.memref_slice %arg6[%arg0, %add3A_58, %dma_start3A] : memref<2x10240x128xf32, #tpu.memory_space<hbm>> -> memref<1x128x128xf32, #tpu.memory_space<hbm>>
      %dma_start3A_68 = tpu.memref_squeeze %dma_start3A_67 : memref<1x128x128xf32, #tpu.memory_space<hbm>> -> memref<128x128xf32, #tpu.memory_space<hbm>>
      %dma_start3A_69 = arith.constant 0 : i32
      %dma_start3A_70 = tpu.memref_slice %arg6[%arg0, %add3A_58, %dma_start3A_69] : memref<2x10240x128xf32, #tpu.memory_space<hbm>> -> memref<1x128x128xf32, #tpu.memory_space<hbm>>
      %dma_start3A_71 = tpu.memref_squeeze %dma_start3A_70 : memref<1x128x128xf32, #tpu.memory_space<hbm>> -> memref<128x128xf32, #tpu.memory_space<hbm>>
      tpu.enqueue_dma source(%arg9 : memref<128x128xf32, #tpu.memory_space<vmem>>) target(%dma_start3A_71 : memref<128x128xf32, #tpu.memory_space<hbm>>) target_semaphore(%run_scoped3A : memref<!tpu.dma_semaphore, #tpu.memory_space<semaphore_mem>>)
      %dma_wait3A = arith.constant 0 : i32
      %dma_wait3A_72 = tpu.memref_slice %arg6[%arg0, %add3A_58, %dma_wait3A] : memref<2x10240x128xf32, #tpu.memory_space<hbm>> -> memref<1x128x128xf32, #tpu.memory_space<hbm>>
      %dma_wait3A_73 = tpu.memref_squeeze %dma_wait3A_72 : memref<1x128x128xf32, #tpu.memory_space<hbm>> -> memref<128x128xf32, #tpu.memory_space<hbm>>
      %dma_wait3A_74 = arith.constant 0 : i32
      %dma_wait3A_75 = tpu.memref_slice %arg6[%arg0, %add3A_58, %dma_wait3A_74] : memref<2x10240x128xf32, #tpu.memory_space<hbm>> -> memref<1x128x128xf32, #tpu.memory_space<hbm>>
      %dma_wait3A_76 = tpu.memref_squeeze %dma_wait3A_75 : memref<1x128x128xf32, #tpu.memory_space<hbm>> -> memref<128x128xf32, #tpu.memory_space<hbm>>
      tpu.wait_dma2 semaphore(%run_scoped3A : memref<!tpu.dma_semaphore, #tpu.memory_space<semaphore_mem>>) src(%arg9 : memref<128x128xf32, #tpu.memory_space<vmem>>) dst(%dma_wait3A_76 : memref<128x128xf32, #tpu.memory_space<hbm>>)
      tpu.yield
    }) : () -> ()
    %mul3A_59 = arith.constant 640 : i32
    %mul3A_60 = arith.muli %arg1, %mul3A_59 : i32
    %add3A_61 = arith.constant 512 : i32
    %add3A_62 = arith.addi %mul3A_60, %add3A_61 : i32
    "tpu.region"() ({
      %run_scoped3A = tpu.sem_alloc : memref<!tpu.dma_semaphore, #tpu.memory_space<semaphore_mem>>
      %dma_start3A = arith.constant 0 : i32
      %dma_start3A_67 = tpu.memref_slice %arg10[%add3A_62, %dma_start3A] : memref<10240x128xf32, #tpu.memory_space<vmem_shared>> -> memref<128x128xf32, #tpu.memory_space<vmem_shared>>
      %dma_start3A_68 = arith.constant 0 : i32
      %dma_start3A_69 = tpu.memref_slice %arg10[%add3A_62, %dma_start3A_68] : memref<10240x128xf32, #tpu.memory_space<vmem_shared>> -> memref<128x128xf32, #tpu.memory_space<vmem_shared>>
      tpu.enqueue_dma source(%dma_start3A_69 : memref<128x128xf32, #tpu.memory_space<vmem_shared>>) target(%arg9 : memref<128x128xf32, #tpu.memory_space<vmem>>) target_semaphore(%run_scoped3A : memref<!tpu.dma_semaphore, #tpu.memory_space<semaphore_mem>>)
      %dma_wait3A = arith.constant 0 : i32
      %dma_wait3A_70 = tpu.memref_slice %arg10[%add3A_62, %dma_wait3A] : memref<10240x128xf32, #tpu.memory_space<vmem_shared>> -> memref<128x128xf32, #tpu.memory_space<vmem_shared>>
      %dma_wait3A_71 = arith.constant 0 : i32
      %dma_wait3A_72 = tpu.memref_slice %arg10[%add3A_62, %dma_wait3A_71] : memref<10240x128xf32, #tpu.memory_space<vmem_shared>> -> memref<128x128xf32, #tpu.memory_space<vmem_shared>>
      tpu.wait_dma2 semaphore(%run_scoped3A : memref<!tpu.dma_semaphore, #tpu.memory_space<semaphore_mem>>) src(%dma_wait3A_72 : memref<128x128xf32, #tpu.memory_space<vmem_shared>>) dst(%arg9 : memref<128x128xf32, #tpu.memory_space<vmem>>)
      tpu.yield
    }) : () -> ()
    %mul3A_63 = arith.constant 640 : i32
    %mul3A_64 = arith.muli %arg1, %mul3A_63 : i32
    %add3A_65 = arith.constant 512 : i32
    %add3A_66 = arith.addi %mul3A_64, %add3A_65 : i32
    "tpu.region"() ({
      %run_scoped3A = tpu.sem_alloc : memref<!tpu.dma_semaphore, #tpu.memory_space<semaphore_mem>>
      %dma_start3A = arith.constant 0 : i32
      %dma_start3A_67 = tpu.memref_slice %arg6[%arg0, %add3A_66, %dma_start3A] : memref<2x10240x128xf32, #tpu.memory_space<hbm>> -> memref<1x128x128xf32, #tpu.memory_space<hbm>>
      %dma_start3A_68 = tpu.memref_squeeze %dma_start3A_67 : memref<1x128x128xf32, #tpu.memory_space<hbm>> -> memref<128x128xf32, #tpu.memory_space<hbm>>
      %dma_start3A_69 = arith.constant 0 : i32
      %dma_start3A_70 = tpu.memref_slice %arg6[%arg0, %add3A_66, %dma_start3A_69] : memref<2x10240x128xf32, #tpu.memory_space<hbm>> -> memref<1x128x128xf32, #tpu.memory_space<hbm>>
      %dma_start3A_71 = tpu.memref_squeeze %dma_start3A_70 : memref<1x128x128xf32, #tpu.memory_space<hbm>> -> memref<128x128xf32, #tpu.memory_space<hbm>>
      tpu.enqueue_dma source(%arg9 : memref<128x128xf32, #tpu.memory_space<vmem>>) target(%dma_start3A_71 : memref<128x128xf32, #tpu.memory_space<hbm>>) target_semaphore(%run_scoped3A : memref<!tpu.dma_semaphore, #tpu.memory_space<semaphore_mem>>)
      %dma_wait3A = arith.constant 0 : i32
      %dma_wait3A_72 = tpu.memref_slice %arg6[%arg0, %add3A_66, %dma_wait3A] : memref<2x10240x128xf32, #tpu.memory_space<hbm>> -> memref<1x128x128xf32, #tpu.memory_space<hbm>>
      %dma_wait3A_73 = tpu.memref_squeeze %dma_wait3A_72 : memref<1x128x128xf32, #tpu.memory_space<hbm>> -> memref<128x128xf32, #tpu.memory_space<hbm>>
      %dma_wait3A_74 = arith.constant 0 : i32
      %dma_wait3A_75 = tpu.memref_slice %arg6[%arg0, %add3A_66, %dma_wait3A_74] : memref<2x10240x128xf32, #tpu.memory_space<hbm>> -> memref<1x128x128xf32, #tpu.memory_space<hbm>>
      %dma_wait3A_76 = tpu.memref_squeeze %dma_wait3A_75 : memref<1x128x128xf32, #tpu.memory_space<hbm>> -> memref<128x128xf32, #tpu.memory_space<hbm>>
      tpu.wait_dma2 semaphore(%run_scoped3A : memref<!tpu.dma_semaphore, #tpu.memory_space<semaphore_mem>>) src(%arg9 : memref<128x128xf32, #tpu.memory_space<vmem>>) dst(%dma_wait3A_76 : memref<128x128xf32, #tpu.memory_space<hbm>>)
      tpu.yield
    }) : () -> ()
    return
  }
}

#map = affine_map<(d0, d1) -> (0, 0)>
#map1 = affine_map<(d0, d1) -> (0, 0, 0)>
module attributes {stable_mosaic.version = 14 : i64} {
  func.func @_scatter_body(%arg0: i32, %arg1: i32, %arg2: memref<10240x128xf32, #tpu.memory_space<hbm>>, %arg3: memref<32x79x128xi32, #tpu.memory_space<hbm>>, %arg4: memref<32x79x128xi32, #tpu.memory_space<hbm>>, %arg5: memref<128x128xf32, #tpu.memory_space<hbm>>, %arg6: memref<2x10240x128xf32, #tpu.memory_space<hbm>>, %arg7: memref<79x128xi32, #tpu.memory_space<vmem>>, %arg8: memref<79x128xi32, #tpu.memory_space<vmem>>, %arg9: memref<128x128xf32, #tpu.memory_space<vmem>>, %arg10: memref<10240x128xf32, #tpu.memory_space<vmem_shared>>, %arg11: memref<!tpu.dma_semaphore, #tpu.memory_space<semaphore_mem>>) attributes {dimension_semantics = [#tpu.dimension_semantics<core_parallel>, #tpu.dimension_semantics<subcore_parallel>], iteration_bounds = array<i64: 2, 16>, scalar_prefetch = 0 : i64, scratch_operands = 5 : i64, tpu.core_type = #tpu.core_type<sc_vector_subcore>, window_params = [{transform_indices = #map}, {transform_indices = #map1}, {transform_indices = #map1}, {transform_indices = #map}, {transform_indices = #map1}]} {
    %mul3A = arith.constant 16 : i32
    %mul3A_0 = arith.muli %arg0, %mul3A : i32
    %add3A = arith.addi %mul3A_0, %arg1 : i32
    "tpu.region"() ({
      %run_scoped3A = tpu.sem_alloc : memref<!tpu.dma_semaphore, #tpu.memory_space<semaphore_mem>>
      %dma_start3A = arith.constant 0 : i32
      %dma_start3A_67 = arith.constant 0 : i32
      %dma_start3A_68 = tpu.memref_slice %arg3[%add3A, %dma_start3A, %dma_start3A_67] : memref<32x79x128xi32, #tpu.memory_space<hbm>> -> memref<1x79x128xi32, #tpu.memory_space<hbm>>
      %dma_start3A_69 = tpu.memref_squeeze %dma_start3A_68 : memref<1x79x128xi32, #tpu.memory_space<hbm>> -> memref<79x128xi32, #tpu.memory_space<hbm>>
      %dma_start3A_70 = arith.constant 0 : i32
      %dma_start3A_71 = arith.constant 0 : i32
      %dma_start3A_72 = tpu.memref_slice %arg3[%add3A, %dma_start3A_70, %dma_start3A_71] : memref<32x79x128xi32, #tpu.memory_space<hbm>> -> memref<1x79x128xi32, #tpu.memory_space<hbm>>
      %dma_start3A_73 = tpu.memref_squeeze %dma_start3A_72 : memref<1x79x128xi32, #tpu.memory_space<hbm>> -> memref<79x128xi32, #tpu.memory_space<hbm>>
      tpu.enqueue_dma source(%dma_start3A_73 : memref<79x128xi32, #tpu.memory_space<hbm>>) target(%arg7 : memref<79x128xi32, #tpu.memory_space<vmem>>) target_semaphore(%run_scoped3A : memref<!tpu.dma_semaphore, #tpu.memory_space<semaphore_mem>>)
      %dma_wait3A = arith.constant 0 : i32
      %dma_wait3A_74 = arith.constant 0 : i32
      %dma_wait3A_75 = tpu.memref_slice %arg3[%add3A, %dma_wait3A, %dma_wait3A_74] : memref<32x79x128xi32, #tpu.memory_space<hbm>> -> memref<1x79x128xi32, #tpu.memory_space<hbm>>
      %dma_wait3A_76 = tpu.memref_squeeze %dma_wait3A_75 : memref<1x79x128xi32, #tpu.memory_space<hbm>> -> memref<79x128xi32, #tpu.memory_space<hbm>>
      %dma_wait3A_77 = arith.constant 0 : i32
      %dma_wait3A_78 = arith.constant 0 : i32
      %dma_wait3A_79 = tpu.memref_slice %arg3[%add3A, %dma_wait3A_77, %dma_wait3A_78] : memref<32x79x128xi32, #tpu.memory_space<hbm>> -> memref<1x79x128xi32, #tpu.memory_space<hbm>>
      %dma_wait3A_80 = tpu.memref_squeeze %dma_wait3A_79 : memref<1x79x128xi32, #tpu.memory_space<hbm>> -> memref<79x128xi32, #tpu.memory_space<hbm>>
      tpu.wait_dma2 semaphore(%run_scoped3A : memref<!tpu.dma_semaphore, #tpu.memory_space<semaphore_mem>>) src(%dma_wait3A_80 : memref<79x128xi32, #tpu.memory_space<hbm>>) dst(%arg7 : memref<79x128xi32, #tpu.memory_space<vmem>>)
      tpu.yield
    }) : () -> ()
    "tpu.region"() ({
      %run_scoped3A = tpu.sem_alloc : memref<!tpu.dma_semaphore, #tpu.memory_space<semaphore_mem>>
      %dma_start3A = arith.constant 0 : i32
      %dma_start3A_67 = arith.constant 0 : i32
      %dma_start3A_68 = tpu.memref_slice %arg4[%add3A, %dma_start3A, %dma_start3A_67] : memref<32x79x128xi32, #tpu.memory_space<hbm>> -> memref<1x79x128xi32, #tpu.memory_space<hbm>>
      %dma_start3A_69 = tpu.memref_squeeze %dma_start3A_68 : memref<1x79x128xi32, #tpu.memory_space<hbm>> -> memref<79x128xi32, #tpu.memory_space<hbm>>
      %dma_start3A_70 = arith.constant 0 : i32
      %dma_start3A_71 = arith.constant 0 : i32
      %dma_start3A_72 = tpu.memref_slice %arg4[%add3A, %dma_start3A_70, %dma_start3A_71] : memref<32x79x128xi32, #tpu.memory_space<hbm>> -> memref<1x79x128xi32, #tpu.memory_space<hbm>>
      %dma_start3A_73 = tpu.memref_squeeze %dma_start3A_72 : memref<1x79x128xi32, #tpu.memory_space<hbm>> -> memref<79x128xi32, #tpu.memory_space<hbm>>
      tpu.enqueue_dma source(%dma_start3A_73 : memref<79x128xi32, #tpu.memory_space<hbm>>) target(%arg8 : memref<79x128xi32, #tpu.memory_space<vmem>>) target_semaphore(%run_scoped3A : memref<!tpu.dma_semaphore, #tpu.memory_space<semaphore_mem>>)
      %dma_wait3A = arith.constant 0 : i32
      %dma_wait3A_74 = arith.constant 0 : i32
      %dma_wait3A_75 = tpu.memref_slice %arg4[%add3A, %dma_wait3A, %dma_wait3A_74] : memref<32x79x128xi32, #tpu.memory_space<hbm>> -> memref<1x79x128xi32, #tpu.memory_space<hbm>>
      %dma_wait3A_76 = tpu.memref_squeeze %dma_wait3A_75 : memref<1x79x128xi32, #tpu.memory_space<hbm>> -> memref<79x128xi32, #tpu.memory_space<hbm>>
      %dma_wait3A_77 = arith.constant 0 : i32
      %dma_wait3A_78 = arith.constant 0 : i32
      %dma_wait3A_79 = tpu.memref_slice %arg4[%add3A, %dma_wait3A_77, %dma_wait3A_78] : memref<32x79x128xi32, #tpu.memory_space<hbm>> -> memref<1x79x128xi32, #tpu.memory_space<hbm>>
      %dma_wait3A_80 = tpu.memref_squeeze %dma_wait3A_79 : memref<1x79x128xi32, #tpu.memory_space<hbm>> -> memref<79x128xi32, #tpu.memory_space<hbm>>
      tpu.wait_dma2 semaphore(%run_scoped3A : memref<!tpu.dma_semaphore, #tpu.memory_space<semaphore_mem>>) src(%dma_wait3A_80 : memref<79x128xi32, #tpu.memory_space<hbm>>) dst(%arg8 : memref<79x128xi32, #tpu.memory_space<vmem>>)
      tpu.yield
    }) : () -> ()
    "tpu.region"() ({
      %run_scoped3A = tpu.sem_alloc : memref<!tpu.dma_semaphore, #tpu.memory_space<semaphore_mem>>
      tpu.enqueue_dma source(%arg5 : memref<128x128xf32, #tpu.memory_space<hbm>>) target(%arg9 : memref<128x128xf32, #tpu.memory_space<vmem>>) target_semaphore(%run_scoped3A : memref<!tpu.dma_semaphore, #tpu.memory_space<semaphore_mem>>)
      tpu.wait_dma2 semaphore(%run_scoped3A : memref<!tpu.dma_semaphore, #tpu.memory_space<semaphore_mem>>) src(%arg5 : memref<128x128xf32, #tpu.memory_space<hbm>>) dst(%arg9 : memref<128x128xf32, #tpu.memory_space<vmem>>)
      tpu.yield
    }) : () -> ()
    %mul3A_1 = arith.constant 640 : i32
    %mul3A_2 = arith.muli %arg1, %mul3A_1 : i32
    %add3A_3 = arith.constant 0 : i32
    %add3A_4 = arith.addi %mul3A_2, %add3A_3 : i32
    "tpu.region"() ({
      %run_scoped3A = tpu.sem_alloc : memref<!tpu.dma_semaphore, #tpu.memory_space<semaphore_mem>>
      %dma_start3A = arith.constant 0 : i32
      %dma_start3A_67 = tpu.memref_slice %arg10[%add3A_4, %dma_start3A] : memref<10240x128xf32, #tpu.memory_space<vmem_shared>> -> memref<128x128xf32, #tpu.memory_space<vmem_shared>>
      %dma_start3A_68 = arith.constant 0 : i32
      %dma_start3A_69 = tpu.memref_slice %arg10[%add3A_4, %dma_start3A_68] : memref<10240x128xf32, #tpu.memory_space<vmem_shared>> -> memref<128x128xf32, #tpu.memory_space<vmem_shared>>
      tpu.enqueue_dma source(%arg9 : memref<128x128xf32, #tpu.memory_space<vmem>>) target(%dma_start3A_69 : memref<128x128xf32, #tpu.memory_space<vmem_shared>>) target_semaphore(%run_scoped3A : memref<!tpu.dma_semaphore, #tpu.memory_space<semaphore_mem>>)
      %dma_wait3A = arith.constant 0 : i32
      %dma_wait3A_70 = tpu.memref_slice %arg10[%add3A_4, %dma_wait3A] : memref<10240x128xf32, #tpu.memory_space<vmem_shared>> -> memref<128x128xf32, #tpu.memory_space<vmem_shared>>
      %dma_wait3A_71 = arith.constant 0 : i32
      %dma_wait3A_72 = tpu.memref_slice %arg10[%add3A_4, %dma_wait3A_71] : memref<10240x128xf32, #tpu.memory_space<vmem_shared>> -> memref<128x128xf32, #tpu.memory_space<vmem_shared>>
      tpu.wait_dma2 semaphore(%run_scoped3A : memref<!tpu.dma_semaphore, #tpu.memory_space<semaphore_mem>>) src(%arg9 : memref<128x128xf32, #tpu.memory_space<vmem>>) dst(%dma_wait3A_72 : memref<128x128xf32, #tpu.memory_space<vmem_shared>>)
      tpu.yield
    }) : () -> ()
    %mul3A_5 = arith.constant 640 : i32
    %mul3A_6 = arith.muli %arg1, %mul3A_5 : i32
    %add3A_7 = arith.constant 128 : i32
    %add3A_8 = arith.addi %mul3A_6, %add3A_7 : i32
    "tpu.region"() ({
      %run_scoped3A = tpu.sem_alloc : memref<!tpu.dma_semaphore, #tpu.memory_space<semaphore_mem>>
      %dma_start3A = arith.constant 0 : i32
      %dma_start3A_67 = tpu.memref_slice %arg10[%add3A_8, %dma_start3A] : memref<10240x128xf32, #tpu.memory_space<vmem_shared>> -> memref<128x128xf32, #tpu.memory_space<vmem_shared>>
      %dma_start3A_68 = arith.constant 0 : i32
      %dma_start3A_69 = tpu.memref_slice %arg10[%add3A_8, %dma_start3A_68] : memref<10240x128xf32, #tpu.memory_space<vmem_shared>> -> memref<128x128xf32, #tpu.memory_space<vmem_shared>>
      tpu.enqueue_dma source(%arg9 : memref<128x128xf32, #tpu.memory_space<vmem>>) target(%dma_start3A_69 : memref<128x128xf32, #tpu.memory_space<vmem_shared>>) target_semaphore(%run_scoped3A : memref<!tpu.dma_semaphore, #tpu.memory_space<semaphore_mem>>)
      %dma_wait3A = arith.constant 0 : i32
      %dma_wait3A_70 = tpu.memref_slice %arg10[%add3A_8, %dma_wait3A] : memref<10240x128xf32, #tpu.memory_space<vmem_shared>> -> memref<128x128xf32, #tpu.memory_space<vmem_shared>>
      %dma_wait3A_71 = arith.constant 0 : i32
      %dma_wait3A_72 = tpu.memref_slice %arg10[%add3A_8, %dma_wait3A_71] : memref<10240x128xf32, #tpu.memory_space<vmem_shared>> -> memref<128x128xf32, #tpu.memory_space<vmem_shared>>
      tpu.wait_dma2 semaphore(%run_scoped3A : memref<!tpu.dma_semaphore, #tpu.memory_space<semaphore_mem>>) src(%arg9 : memref<128x128xf32, #tpu.memory_space<vmem>>) dst(%dma_wait3A_72 : memref<128x128xf32, #tpu.memory_space<vmem_shared>>)
      tpu.yield
    }) : () -> ()
    %mul3A_9 = arith.constant 640 : i32
    %mul3A_10 = arith.muli %arg1, %mul3A_9 : i32
    %add3A_11 = arith.constant 256 : i32
    %add3A_12 = arith.addi %mul3A_10, %add3A_11 : i32
    "tpu.region"() ({
      %run_scoped3A = tpu.sem_alloc : memref<!tpu.dma_semaphore, #tpu.memory_space<semaphore_mem>>
      %dma_start3A = arith.constant 0 : i32
      %dma_start3A_67 = tpu.memref_slice %arg10[%add3A_12, %dma_start3A] : memref<10240x128xf32, #tpu.memory_space<vmem_shared>> -> memref<128x128xf32, #tpu.memory_space<vmem_shared>>
      %dma_start3A_68 = arith.constant 0 : i32
      %dma_start3A_69 = tpu.memref_slice %arg10[%add3A_12, %dma_start3A_68] : memref<10240x128xf32, #tpu.memory_space<vmem_shared>> -> memref<128x128xf32, #tpu.memory_space<vmem_shared>>
      tpu.enqueue_dma source(%arg9 : memref<128x128xf32, #tpu.memory_space<vmem>>) target(%dma_start3A_69 : memref<128x128xf32, #tpu.memory_space<vmem_shared>>) target_semaphore(%run_scoped3A : memref<!tpu.dma_semaphore, #tpu.memory_space<semaphore_mem>>)
      %dma_wait3A = arith.constant 0 : i32
      %dma_wait3A_70 = tpu.memref_slice %arg10[%add3A_12, %dma_wait3A] : memref<10240x128xf32, #tpu.memory_space<vmem_shared>> -> memref<128x128xf32, #tpu.memory_space<vmem_shared>>
      %dma_wait3A_71 = arith.constant 0 : i32
      %dma_wait3A_72 = tpu.memref_slice %arg10[%add3A_12, %dma_wait3A_71] : memref<10240x128xf32, #tpu.memory_space<vmem_shared>> -> memref<128x128xf32, #tpu.memory_space<vmem_shared>>
      tpu.wait_dma2 semaphore(%run_scoped3A : memref<!tpu.dma_semaphore, #tpu.memory_space<semaphore_mem>>) src(%arg9 : memref<128x128xf32, #tpu.memory_space<vmem>>) dst(%dma_wait3A_72 : memref<128x128xf32, #tpu.memory_space<vmem_shared>>)
      tpu.yield
    }) : () -> ()
    %mul3A_13 = arith.constant 640 : i32
    %mul3A_14 = arith.muli %arg1, %mul3A_13 : i32
    %add3A_15 = arith.constant 384 : i32
    %add3A_16 = arith.addi %mul3A_14, %add3A_15 : i32
    "tpu.region"() ({
      %run_scoped3A = tpu.sem_alloc : memref<!tpu.dma_semaphore, #tpu.memory_space<semaphore_mem>>
      %dma_start3A = arith.constant 0 : i32
      %dma_start3A_67 = tpu.memref_slice %arg10[%add3A_16, %dma_start3A] : memref<10240x128xf32, #tpu.memory_space<vmem_shared>> -> memref<128x128xf32, #tpu.memory_space<vmem_shared>>
      %dma_start3A_68 = arith.constant 0 : i32
      %dma_start3A_69 = tpu.memref_slice %arg10[%add3A_16, %dma_start3A_68] : memref<10240x128xf32, #tpu.memory_space<vmem_shared>> -> memref<128x128xf32, #tpu.memory_space<vmem_shared>>
      tpu.enqueue_dma source(%arg9 : memref<128x128xf32, #tpu.memory_space<vmem>>) target(%dma_start3A_69 : memref<128x128xf32, #tpu.memory_space<vmem_shared>>) target_semaphore(%run_scoped3A : memref<!tpu.dma_semaphore, #tpu.memory_space<semaphore_mem>>)
      %dma_wait3A = arith.constant 0 : i32
      %dma_wait3A_70 = tpu.memref_slice %arg10[%add3A_16, %dma_wait3A] : memref<10240x128xf32, #tpu.memory_space<vmem_shared>> -> memref<128x128xf32, #tpu.memory_space<vmem_shared>>
      %dma_wait3A_71 = arith.constant 0 : i32
      %dma_wait3A_72 = tpu.memref_slice %arg10[%add3A_16, %dma_wait3A_71] : memref<10240x128xf32, #tpu.memory_space<vmem_shared>> -> memref<128x128xf32, #tpu.memory_space<vmem_shared>>
      tpu.wait_dma2 semaphore(%run_scoped3A : memref<!tpu.dma_semaphore, #tpu.memory_space<semaphore_mem>>) src(%arg9 : memref<128x128xf32, #tpu.memory_space<vmem>>) dst(%dma_wait3A_72 : memref<128x128xf32, #tpu.memory_space<vmem_shared>>)
      tpu.yield
    }) : () -> ()
    %mul3A_17 = arith.constant 640 : i32
    %mul3A_18 = arith.muli %arg1, %mul3A_17 : i32
    %add3A_19 = arith.constant 512 : i32
    %add3A_20 = arith.addi %mul3A_18, %add3A_19 : i32
    "tpu.region"() ({
      %run_scoped3A = tpu.sem_alloc : memref<!tpu.dma_semaphore, #tpu.memory_space<semaphore_mem>>
      %dma_start3A = arith.constant 0 : i32
      %dma_start3A_67 = tpu.memref_slice %arg10[%add3A_20, %dma_start3A] : memref<10240x128xf32, #tpu.memory_space<vmem_shared>> -> memref<128x128xf32, #tpu.memory_space<vmem_shared>>
      %dma_start3A_68 = arith.constant 0 : i32
      %dma_start3A_69 = tpu.memref_slice %arg10[%add3A_20, %dma_start3A_68] : memref<10240x128xf32, #tpu.memory_space<vmem_shared>> -> memref<128x128xf32, #tpu.memory_space<vmem_shared>>
      tpu.enqueue_dma source(%arg9 : memref<128x128xf32, #tpu.memory_space<vmem>>) target(%dma_start3A_69 : memref<128x128xf32, #tpu.memory_space<vmem_shared>>) target_semaphore(%run_scoped3A : memref<!tpu.dma_semaphore, #tpu.memory_space<semaphore_mem>>)
      %dma_wait3A = arith.constant 0 : i32
      %dma_wait3A_70 = tpu.memref_slice %arg10[%add3A_20, %dma_wait3A] : memref<10240x128xf32, #tpu.memory_space<vmem_shared>> -> memref<128x128xf32, #tpu.memory_space<vmem_shared>>
      %dma_wait3A_71 = arith.constant 0 : i32
      %dma_wait3A_72 = tpu.memref_slice %arg10[%add3A_20, %dma_wait3A_71] : memref<10240x128xf32, #tpu.memory_space<vmem_shared>> -> memref<128x128xf32, #tpu.memory_space<vmem_shared>>
      tpu.wait_dma2 semaphore(%run_scoped3A : memref<!tpu.dma_semaphore, #tpu.memory_space<semaphore_mem>>) src(%arg9 : memref<128x128xf32, #tpu.memory_space<vmem>>) dst(%dma_wait3A_72 : memref<128x128xf32, #tpu.memory_space<vmem_shared>>)
      tpu.yield
    }) : () -> ()
    %barrier3A = arith.constant 0 : index
    tpu.barrier barrier_id(%barrier3A)
    %scan3A = arith.constant 0 : i32
    %scan3A_21 = arith.constant 0 : i32
    %scan3A_22 = arith.constant 79 : i32
    %scan3A_23 = arith.addi %scan3A_21, %scan3A_22 : i32
    %scan3A_24 = arith.constant 1 : i32
    scf.for %scan3A_67 = %scan3A_21 to %scan3A_23 step %scan3A_24  : i32 {
      %dma_start3A = arith.constant 0 : i32
      %dma_start3A_68 = tpu.memref_slice %arg7[%scan3A_67, %dma_start3A] : memref<79x128xi32, #tpu.memory_space<vmem>> -> memref<1x128xi32, #tpu.memory_space<vmem>>
      %dma_start3A_69 = tpu.memref_squeeze %dma_start3A_68 : memref<1x128xi32, #tpu.memory_space<vmem>> -> memref<128xi32, #tpu.memory_space<vmem>>
      %dma_start3A_70 = arith.constant 0 : i32
      %dma_start3A_71 = arith.constant 0 : i32
      %dma_start3A_72 = tpu.memref_slice %arg2[%dma_start3A_70, %dma_start3A_71] : memref<10240x128xf32, #tpu.memory_space<hbm>> -> memref<10240x128xf32, #tpu.memory_space<hbm>>
      tpu.enqueue_indirect_dma source(%dma_start3A_72 : memref<10240x128xf32, #tpu.memory_space<hbm>>) target(%arg9 : memref<128x128xf32, #tpu.memory_space<vmem>>) offsets(%dma_start3A_69 : memref<128xi32, #tpu.memory_space<vmem>>) semaphore(%arg11 : memref<!tpu.dma_semaphore, #tpu.memory_space<semaphore_mem>>)
      %dma_wait3A = arith.constant 0 : i32
      %dma_wait3A_73 = tpu.memref_slice %arg7[%scan3A_67, %dma_wait3A] : memref<79x128xi32, #tpu.memory_space<vmem>> -> memref<1x128xi32, #tpu.memory_space<vmem>>
      %dma_wait3A_74 = tpu.memref_squeeze %dma_wait3A_73 : memref<1x128xi32, #tpu.memory_space<vmem>> -> memref<128xi32, #tpu.memory_space<vmem>>
      %dma_wait3A_75 = arith.constant 0 : i32
      %dma_wait3A_76 = arith.constant 0 : i32
      %dma_wait3A_77 = tpu.memref_slice %arg2[%dma_wait3A_75, %dma_wait3A_76] : memref<10240x128xf32, #tpu.memory_space<hbm>> -> memref<10240x128xf32, #tpu.memory_space<hbm>>
      tpu.wait_indirect_dma semaphore(%arg11 : memref<!tpu.dma_semaphore, #tpu.memory_space<semaphore_mem>>) src(%dma_wait3A_77 : memref<10240x128xf32, #tpu.memory_space<hbm>>) dst(%arg9 : memref<128x128xf32, #tpu.memory_space<vmem>>)
      "tpu.region"() ({
        %run_scoped3A = tpu.sem_alloc : memref<!tpu.dma_semaphore, #tpu.memory_space<semaphore_mem>>
        %dma_start3A_78 = arith.constant 0 : i32
        %dma_start3A_79 = tpu.memref_slice %arg8[%scan3A_67, %dma_start3A_78] : memref<79x128xi32, #tpu.memory_space<vmem>> -> memref<1x128xi32, #tpu.memory_space<vmem>>
        %dma_start3A_80 = tpu.memref_squeeze %dma_start3A_79 : memref<1x128xi32, #tpu.memory_space<vmem>> -> memref<128xi32, #tpu.memory_space<vmem>>
        %dma_start3A_81 = arith.constant 0 : i32
        %dma_start3A_82 = arith.constant 0 : i32
        %dma_start3A_83 = tpu.memref_slice %arg10[%dma_start3A_81, %dma_start3A_82] : memref<10240x128xf32, #tpu.memory_space<vmem_shared>> -> memref<10240x128xf32, #tpu.memory_space<vmem_shared>>
        tpu.enqueue_indirect_dma source(%arg9 : memref<128x128xf32, #tpu.memory_space<vmem>>) target(%dma_start3A_83 : memref<10240x128xf32, #tpu.memory_space<vmem_shared>>) offsets(%dma_start3A_80 : memref<128xi32, #tpu.memory_space<vmem>>) semaphore(%run_scoped3A : memref<!tpu.dma_semaphore, #tpu.memory_space<semaphore_mem>>) {add = true}
        %dma_wait3A_84 = arith.constant 0 : i32
        %dma_wait3A_85 = tpu.memref_slice %arg8[%scan3A_67, %dma_wait3A_84] : memref<79x128xi32, #tpu.memory_space<vmem>> -> memref<1x128xi32, #tpu.memory_space<vmem>>
        %dma_wait3A_86 = tpu.memref_squeeze %dma_wait3A_85 : memref<1x128xi32, #tpu.memory_space<vmem>> -> memref<128xi32, #tpu.memory_space<vmem>>
        %dma_wait3A_87 = arith.constant 0 : i32
        %dma_wait3A_88 = arith.constant 0 : i32
        %dma_wait3A_89 = tpu.memref_slice %arg10[%dma_wait3A_87, %dma_wait3A_88] : memref<10240x128xf32, #tpu.memory_space<vmem_shared>> -> memref<10240x128xf32, #tpu.memory_space<vmem_shared>>
        tpu.wait_indirect_dma semaphore(%run_scoped3A : memref<!tpu.dma_semaphore, #tpu.memory_space<semaphore_mem>>) src(%arg9 : memref<128x128xf32, #tpu.memory_space<vmem>>) dst(%dma_wait3A_89 : memref<10240x128xf32, #tpu.memory_space<vmem_shared>>)
        tpu.yield
      }) : () -> ()
    }
    %scan3A_25 = arith.constant 79 : i32
    %barrier3A_26 = arith.constant 0 : index
    tpu.barrier barrier_id(%barrier3A_26)
    %mul3A_27 = arith.constant 640 : i32
    %mul3A_28 = arith.muli %arg1, %mul3A_27 : i32
    %add3A_29 = arith.constant 0 : i32
    %add3A_30 = arith.addi %mul3A_28, %add3A_29 : i32
    "tpu.region"() ({
      %run_scoped3A = tpu.sem_alloc : memref<!tpu.dma_semaphore, #tpu.memory_space<semaphore_mem>>
      %dma_start3A = arith.constant 0 : i32
      %dma_start3A_67 = tpu.memref_slice %arg10[%add3A_30, %dma_start3A] : memref<10240x128xf32, #tpu.memory_space<vmem_shared>> -> memref<128x128xf32, #tpu.memory_space<vmem_shared>>
      %dma_start3A_68 = arith.constant 0 : i32
      %dma_start3A_69 = tpu.memref_slice %arg10[%add3A_30, %dma_start3A_68] : memref<10240x128xf32, #tpu.memory_space<vmem_shared>> -> memref<128x128xf32, #tpu.memory_space<vmem_shared>>
      tpu.enqueue_dma source(%dma_start3A_69 : memref<128x128xf32, #tpu.memory_space<vmem_shared>>) target(%arg9 : memref<128x128xf32, #tpu.memory_space<vmem>>) target_semaphore(%run_scoped3A : memref<!tpu.dma_semaphore, #tpu.memory_space<semaphore_mem>>)
      %dma_wait3A = arith.constant 0 : i32
      %dma_wait3A_70 = tpu.memref_slice %arg10[%add3A_30, %dma_wait3A] : memref<10240x128xf32, #tpu.memory_space<vmem_shared>> -> memref<128x128xf32, #tpu.memory_space<vmem_shared>>
      %dma_wait3A_71 = arith.constant 0 : i32
      %dma_wait3A_72 = tpu.memref_slice %arg10[%add3A_30, %dma_wait3A_71] : memref<10240x128xf32, #tpu.memory_space<vmem_shared>> -> memref<128x128xf32, #tpu.memory_space<vmem_shared>>
      tpu.wait_dma2 semaphore(%run_scoped3A : memref<!tpu.dma_semaphore, #tpu.memory_space<semaphore_mem>>) src(%dma_wait3A_72 : memref<128x128xf32, #tpu.memory_space<vmem_shared>>) dst(%arg9 : memref<128x128xf32, #tpu.memory_space<vmem>>)
      tpu.yield
    }) : () -> ()
    %mul3A_31 = arith.constant 640 : i32
    %mul3A_32 = arith.muli %arg1, %mul3A_31 : i32
    %add3A_33 = arith.constant 0 : i32
    %add3A_34 = arith.addi %mul3A_32, %add3A_33 : i32
    "tpu.region"() ({
      %run_scoped3A = tpu.sem_alloc : memref<!tpu.dma_semaphore, #tpu.memory_space<semaphore_mem>>
      %dma_start3A = arith.constant 0 : i32
      %dma_start3A_67 = tpu.memref_slice %arg6[%arg0, %add3A_34, %dma_start3A] : memref<2x10240x128xf32, #tpu.memory_space<hbm>> -> memref<1x128x128xf32, #tpu.memory_space<hbm>>
      %dma_start3A_68 = tpu.memref_squeeze %dma_start3A_67 : memref<1x128x128xf32, #tpu.memory_space<hbm>> -> memref<128x128xf32, #tpu.memory_space<hbm>>
      %dma_start3A_69 = arith.constant 0 : i32
      %dma_start3A_70 = tpu.memref_slice %arg6[%arg0, %add3A_34, %dma_start3A_69] : memref<2x10240x128xf32, #tpu.memory_space<hbm>> -> memref<1x128x128xf32, #tpu.memory_space<hbm>>
      %dma_start3A_71 = tpu.memref_squeeze %dma_start3A_70 : memref<1x128x128xf32, #tpu.memory_space<hbm>> -> memref<128x128xf32, #tpu.memory_space<hbm>>
      tpu.enqueue_dma source(%arg9 : memref<128x128xf32, #tpu.memory_space<vmem>>) target(%dma_start3A_71 : memref<128x128xf32, #tpu.memory_space<hbm>>) target_semaphore(%run_scoped3A : memref<!tpu.dma_semaphore, #tpu.memory_space<semaphore_mem>>)
      %dma_wait3A = arith.constant 0 : i32
      %dma_wait3A_72 = tpu.memref_slice %arg6[%arg0, %add3A_34, %dma_wait3A] : memref<2x10240x128xf32, #tpu.memory_space<hbm>> -> memref<1x128x128xf32, #tpu.memory_space<hbm>>
      %dma_wait3A_73 = tpu.memref_squeeze %dma_wait3A_72 : memref<1x128x128xf32, #tpu.memory_space<hbm>> -> memref<128x128xf32, #tpu.memory_space<hbm>>
      %dma_wait3A_74 = arith.constant 0 : i32
      %dma_wait3A_75 = tpu.memref_slice %arg6[%arg0, %add3A_34, %dma_wait3A_74] : memref<2x10240x128xf32, #tpu.memory_space<hbm>> -> memref<1x128x128xf32, #tpu.memory_space<hbm>>
      %dma_wait3A_76 = tpu.memref_squeeze %dma_wait3A_75 : memref<1x128x128xf32, #tpu.memory_space<hbm>> -> memref<128x128xf32, #tpu.memory_space<hbm>>
      tpu.wait_dma2 semaphore(%run_scoped3A : memref<!tpu.dma_semaphore, #tpu.memory_space<semaphore_mem>>) src(%arg9 : memref<128x128xf32, #tpu.memory_space<vmem>>) dst(%dma_wait3A_76 : memref<128x128xf32, #tpu.memory_space<hbm>>)
      tpu.yield
    }) : () -> ()
    %mul3A_35 = arith.constant 640 : i32
    %mul3A_36 = arith.muli %arg1, %mul3A_35 : i32
    %add3A_37 = arith.constant 128 : i32
    %add3A_38 = arith.addi %mul3A_36, %add3A_37 : i32
    "tpu.region"() ({
      %run_scoped3A = tpu.sem_alloc : memref<!tpu.dma_semaphore, #tpu.memory_space<semaphore_mem>>
      %dma_start3A = arith.constant 0 : i32
      %dma_start3A_67 = tpu.memref_slice %arg10[%add3A_38, %dma_start3A] : memref<10240x128xf32, #tpu.memory_space<vmem_shared>> -> memref<128x128xf32, #tpu.memory_space<vmem_shared>>
      %dma_start3A_68 = arith.constant 0 : i32
      %dma_start3A_69 = tpu.memref_slice %arg10[%add3A_38, %dma_start3A_68] : memref<10240x128xf32, #tpu.memory_space<vmem_shared>> -> memref<128x128xf32, #tpu.memory_space<vmem_shared>>
      tpu.enqueue_dma source(%dma_start3A_69 : memref<128x128xf32, #tpu.memory_space<vmem_shared>>) target(%arg9 : memref<128x128xf32, #tpu.memory_space<vmem>>) target_semaphore(%run_scoped3A : memref<!tpu.dma_semaphore, #tpu.memory_space<semaphore_mem>>)
      %dma_wait3A = arith.constant 0 : i32
      %dma_wait3A_70 = tpu.memref_slice %arg10[%add3A_38, %dma_wait3A] : memref<10240x128xf32, #tpu.memory_space<vmem_shared>> -> memref<128x128xf32, #tpu.memory_space<vmem_shared>>
      %dma_wait3A_71 = arith.constant 0 : i32
      %dma_wait3A_72 = tpu.memref_slice %arg10[%add3A_38, %dma_wait3A_71] : memref<10240x128xf32, #tpu.memory_space<vmem_shared>> -> memref<128x128xf32, #tpu.memory_space<vmem_shared>>
      tpu.wait_dma2 semaphore(%run_scoped3A : memref<!tpu.dma_semaphore, #tpu.memory_space<semaphore_mem>>) src(%dma_wait3A_72 : memref<128x128xf32, #tpu.memory_space<vmem_shared>>) dst(%arg9 : memref<128x128xf32, #tpu.memory_space<vmem>>)
      tpu.yield
    }) : () -> ()
    %mul3A_39 = arith.constant 640 : i32
    %mul3A_40 = arith.muli %arg1, %mul3A_39 : i32
    %add3A_41 = arith.constant 128 : i32
    %add3A_42 = arith.addi %mul3A_40, %add3A_41 : i32
    "tpu.region"() ({
      %run_scoped3A = tpu.sem_alloc : memref<!tpu.dma_semaphore, #tpu.memory_space<semaphore_mem>>
      %dma_start3A = arith.constant 0 : i32
      %dma_start3A_67 = tpu.memref_slice %arg6[%arg0, %add3A_42, %dma_start3A] : memref<2x10240x128xf32, #tpu.memory_space<hbm>> -> memref<1x128x128xf32, #tpu.memory_space<hbm>>
      %dma_start3A_68 = tpu.memref_squeeze %dma_start3A_67 : memref<1x128x128xf32, #tpu.memory_space<hbm>> -> memref<128x128xf32, #tpu.memory_space<hbm>>
      %dma_start3A_69 = arith.constant 0 : i32
      %dma_start3A_70 = tpu.memref_slice %arg6[%arg0, %add3A_42, %dma_start3A_69] : memref<2x10240x128xf32, #tpu.memory_space<hbm>> -> memref<1x128x128xf32, #tpu.memory_space<hbm>>
      %dma_start3A_71 = tpu.memref_squeeze %dma_start3A_70 : memref<1x128x128xf32, #tpu.memory_space<hbm>> -> memref<128x128xf32, #tpu.memory_space<hbm>>
      tpu.enqueue_dma source(%arg9 : memref<128x128xf32, #tpu.memory_space<vmem>>) target(%dma_start3A_71 : memref<128x128xf32, #tpu.memory_space<hbm>>) target_semaphore(%run_scoped3A : memref<!tpu.dma_semaphore, #tpu.memory_space<semaphore_mem>>)
      %dma_wait3A = arith.constant 0 : i32
      %dma_wait3A_72 = tpu.memref_slice %arg6[%arg0, %add3A_42, %dma_wait3A] : memref<2x10240x128xf32, #tpu.memory_space<hbm>> -> memref<1x128x128xf32, #tpu.memory_space<hbm>>
      %dma_wait3A_73 = tpu.memref_squeeze %dma_wait3A_72 : memref<1x128x128xf32, #tpu.memory_space<hbm>> -> memref<128x128xf32, #tpu.memory_space<hbm>>
      %dma_wait3A_74 = arith.constant 0 : i32
      %dma_wait3A_75 = tpu.memref_slice %arg6[%arg0, %add3A_42, %dma_wait3A_74] : memref<2x10240x128xf32, #tpu.memory_space<hbm>> -> memref<1x128x128xf32, #tpu.memory_space<hbm>>
      %dma_wait3A_76 = tpu.memref_squeeze %dma_wait3A_75 : memref<1x128x128xf32, #tpu.memory_space<hbm>> -> memref<128x128xf32, #tpu.memory_space<hbm>>
      tpu.wait_dma2 semaphore(%run_scoped3A : memref<!tpu.dma_semaphore, #tpu.memory_space<semaphore_mem>>) src(%arg9 : memref<128x128xf32, #tpu.memory_space<vmem>>) dst(%dma_wait3A_76 : memref<128x128xf32, #tpu.memory_space<hbm>>)
      tpu.yield
    }) : () -> ()
    %mul3A_43 = arith.constant 640 : i32
    %mul3A_44 = arith.muli %arg1, %mul3A_43 : i32
    %add3A_45 = arith.constant 256 : i32
    %add3A_46 = arith.addi %mul3A_44, %add3A_45 : i32
    "tpu.region"() ({
      %run_scoped3A = tpu.sem_alloc : memref<!tpu.dma_semaphore, #tpu.memory_space<semaphore_mem>>
      %dma_start3A = arith.constant 0 : i32
      %dma_start3A_67 = tpu.memref_slice %arg10[%add3A_46, %dma_start3A] : memref<10240x128xf32, #tpu.memory_space<vmem_shared>> -> memref<128x128xf32, #tpu.memory_space<vmem_shared>>
      %dma_start3A_68 = arith.constant 0 : i32
      %dma_start3A_69 = tpu.memref_slice %arg10[%add3A_46, %dma_start3A_68] : memref<10240x128xf32, #tpu.memory_space<vmem_shared>> -> memref<128x128xf32, #tpu.memory_space<vmem_shared>>
      tpu.enqueue_dma source(%dma_start3A_69 : memref<128x128xf32, #tpu.memory_space<vmem_shared>>) target(%arg9 : memref<128x128xf32, #tpu.memory_space<vmem>>) target_semaphore(%run_scoped3A : memref<!tpu.dma_semaphore, #tpu.memory_space<semaphore_mem>>)
      %dma_wait3A = arith.constant 0 : i32
      %dma_wait3A_70 = tpu.memref_slice %arg10[%add3A_46, %dma_wait3A] : memref<10240x128xf32, #tpu.memory_space<vmem_shared>> -> memref<128x128xf32, #tpu.memory_space<vmem_shared>>
      %dma_wait3A_71 = arith.constant 0 : i32
      %dma_wait3A_72 = tpu.memref_slice %arg10[%add3A_46, %dma_wait3A_71] : memref<10240x128xf32, #tpu.memory_space<vmem_shared>> -> memref<128x128xf32, #tpu.memory_space<vmem_shared>>
      tpu.wait_dma2 semaphore(%run_scoped3A : memref<!tpu.dma_semaphore, #tpu.memory_space<semaphore_mem>>) src(%dma_wait3A_72 : memref<128x128xf32, #tpu.memory_space<vmem_shared>>) dst(%arg9 : memref<128x128xf32, #tpu.memory_space<vmem>>)
      tpu.yield
    }) : () -> ()
    %mul3A_47 = arith.constant 640 : i32
    %mul3A_48 = arith.muli %arg1, %mul3A_47 : i32
    %add3A_49 = arith.constant 256 : i32
    %add3A_50 = arith.addi %mul3A_48, %add3A_49 : i32
    "tpu.region"() ({
      %run_scoped3A = tpu.sem_alloc : memref<!tpu.dma_semaphore, #tpu.memory_space<semaphore_mem>>
      %dma_start3A = arith.constant 0 : i32
      %dma_start3A_67 = tpu.memref_slice %arg6[%arg0, %add3A_50, %dma_start3A] : memref<2x10240x128xf32, #tpu.memory_space<hbm>> -> memref<1x128x128xf32, #tpu.memory_space<hbm>>
      %dma_start3A_68 = tpu.memref_squeeze %dma_start3A_67 : memref<1x128x128xf32, #tpu.memory_space<hbm>> -> memref<128x128xf32, #tpu.memory_space<hbm>>
      %dma_start3A_69 = arith.constant 0 : i32
      %dma_start3A_70 = tpu.memref_slice %arg6[%arg0, %add3A_50, %dma_start3A_69] : memref<2x10240x128xf32, #tpu.memory_space<hbm>> -> memref<1x128x128xf32, #tpu.memory_space<hbm>>
      %dma_start3A_71 = tpu.memref_squeeze %dma_start3A_70 : memref<1x128x128xf32, #tpu.memory_space<hbm>> -> memref<128x128xf32, #tpu.memory_space<hbm>>
      tpu.enqueue_dma source(%arg9 : memref<128x128xf32, #tpu.memory_space<vmem>>) target(%dma_start3A_71 : memref<128x128xf32, #tpu.memory_space<hbm>>) target_semaphore(%run_scoped3A : memref<!tpu.dma_semaphore, #tpu.memory_space<semaphore_mem>>)
      %dma_wait3A = arith.constant 0 : i32
      %dma_wait3A_72 = tpu.memref_slice %arg6[%arg0, %add3A_50, %dma_wait3A] : memref<2x10240x128xf32, #tpu.memory_space<hbm>> -> memref<1x128x128xf32, #tpu.memory_space<hbm>>
      %dma_wait3A_73 = tpu.memref_squeeze %dma_wait3A_72 : memref<1x128x128xf32, #tpu.memory_space<hbm>> -> memref<128x128xf32, #tpu.memory_space<hbm>>
      %dma_wait3A_74 = arith.constant 0 : i32
      %dma_wait3A_75 = tpu.memref_slice %arg6[%arg0, %add3A_50, %dma_wait3A_74] : memref<2x10240x128xf32, #tpu.memory_space<hbm>> -> memref<1x128x128xf32, #tpu.memory_space<hbm>>
      %dma_wait3A_76 = tpu.memref_squeeze %dma_wait3A_75 : memref<1x128x128xf32, #tpu.memory_space<hbm>> -> memref<128x128xf32, #tpu.memory_space<hbm>>
      tpu.wait_dma2 semaphore(%run_scoped3A : memref<!tpu.dma_semaphore, #tpu.memory_space<semaphore_mem>>) src(%arg9 : memref<128x128xf32, #tpu.memory_space<vmem>>) dst(%dma_wait3A_76 : memref<128x128xf32, #tpu.memory_space<hbm>>)
      tpu.yield
    }) : () -> ()
    %mul3A_51 = arith.constant 640 : i32
    %mul3A_52 = arith.muli %arg1, %mul3A_51 : i32
    %add3A_53 = arith.constant 384 : i32
    %add3A_54 = arith.addi %mul3A_52, %add3A_53 : i32
    "tpu.region"() ({
      %run_scoped3A = tpu.sem_alloc : memref<!tpu.dma_semaphore, #tpu.memory_space<semaphore_mem>>
      %dma_start3A = arith.constant 0 : i32
      %dma_start3A_67 = tpu.memref_slice %arg10[%add3A_54, %dma_start3A] : memref<10240x128xf32, #tpu.memory_space<vmem_shared>> -> memref<128x128xf32, #tpu.memory_space<vmem_shared>>
      %dma_start3A_68 = arith.constant 0 : i32
      %dma_start3A_69 = tpu.memref_slice %arg10[%add3A_54, %dma_start3A_68] : memref<10240x128xf32, #tpu.memory_space<vmem_shared>> -> memref<128x128xf32, #tpu.memory_space<vmem_shared>>
      tpu.enqueue_dma source(%dma_start3A_69 : memref<128x128xf32, #tpu.memory_space<vmem_shared>>) target(%arg9 : memref<128x128xf32, #tpu.memory_space<vmem>>) target_semaphore(%run_scoped3A : memref<!tpu.dma_semaphore, #tpu.memory_space<semaphore_mem>>)
      %dma_wait3A = arith.constant 0 : i32
      %dma_wait3A_70 = tpu.memref_slice %arg10[%add3A_54, %dma_wait3A] : memref<10240x128xf32, #tpu.memory_space<vmem_shared>> -> memref<128x128xf32, #tpu.memory_space<vmem_shared>>
      %dma_wait3A_71 = arith.constant 0 : i32
      %dma_wait3A_72 = tpu.memref_slice %arg10[%add3A_54, %dma_wait3A_71] : memref<10240x128xf32, #tpu.memory_space<vmem_shared>> -> memref<128x128xf32, #tpu.memory_space<vmem_shared>>
      tpu.wait_dma2 semaphore(%run_scoped3A : memref<!tpu.dma_semaphore, #tpu.memory_space<semaphore_mem>>) src(%dma_wait3A_72 : memref<128x128xf32, #tpu.memory_space<vmem_shared>>) dst(%arg9 : memref<128x128xf32, #tpu.memory_space<vmem>>)
      tpu.yield
    }) : () -> ()
    %mul3A_55 = arith.constant 640 : i32
    %mul3A_56 = arith.muli %arg1, %mul3A_55 : i32
    %add3A_57 = arith.constant 384 : i32
    %add3A_58 = arith.addi %mul3A_56, %add3A_57 : i32
    "tpu.region"() ({
      %run_scoped3A = tpu.sem_alloc : memref<!tpu.dma_semaphore, #tpu.memory_space<semaphore_mem>>
      %dma_start3A = arith.constant 0 : i32
      %dma_start3A_67 = tpu.memref_slice %arg6[%arg0, %add3A_58, %dma_start3A] : memref<2x10240x128xf32, #tpu.memory_space<hbm>> -> memref<1x128x128xf32, #tpu.memory_space<hbm>>
      %dma_start3A_68 = tpu.memref_squeeze %dma_start3A_67 : memref<1x128x128xf32, #tpu.memory_space<hbm>> -> memref<128x128xf32, #tpu.memory_space<hbm>>
      %dma_start3A_69 = arith.constant 0 : i32
      %dma_start3A_70 = tpu.memref_slice %arg6[%arg0, %add3A_58, %dma_start3A_69] : memref<2x10240x128xf32, #tpu.memory_space<hbm>> -> memref<1x128x128xf32, #tpu.memory_space<hbm>>
      %dma_start3A_71 = tpu.memref_squeeze %dma_start3A_70 : memref<1x128x128xf32, #tpu.memory_space<hbm>> -> memref<128x128xf32, #tpu.memory_space<hbm>>
      tpu.enqueue_dma source(%arg9 : memref<128x128xf32, #tpu.memory_space<vmem>>) target(%dma_start3A_71 : memref<128x128xf32, #tpu.memory_space<hbm>>) target_semaphore(%run_scoped3A : memref<!tpu.dma_semaphore, #tpu.memory_space<semaphore_mem>>)
      %dma_wait3A = arith.constant 0 : i32
      %dma_wait3A_72 = tpu.memref_slice %arg6[%arg0, %add3A_58, %dma_wait3A] : memref<2x10240x128xf32, #tpu.memory_space<hbm>> -> memref<1x128x128xf32, #tpu.memory_space<hbm>>
      %dma_wait3A_73 = tpu.memref_squeeze %dma_wait3A_72 : memref<1x128x128xf32, #tpu.memory_space<hbm>> -> memref<128x128xf32, #tpu.memory_space<hbm>>
      %dma_wait3A_74 = arith.constant 0 : i32
      %dma_wait3A_75 = tpu.memref_slice %arg6[%arg0, %add3A_58, %dma_wait3A_74] : memref<2x10240x128xf32, #tpu.memory_space<hbm>> -> memref<1x128x128xf32, #tpu.memory_space<hbm>>
      %dma_wait3A_76 = tpu.memref_squeeze %dma_wait3A_75 : memref<1x128x128xf32, #tpu.memory_space<hbm>> -> memref<128x128xf32, #tpu.memory_space<hbm>>
      tpu.wait_dma2 semaphore(%run_scoped3A : memref<!tpu.dma_semaphore, #tpu.memory_space<semaphore_mem>>) src(%arg9 : memref<128x128xf32, #tpu.memory_space<vmem>>) dst(%dma_wait3A_76 : memref<128x128xf32, #tpu.memory_space<hbm>>)
      tpu.yield
    }) : () -> ()
    %mul3A_59 = arith.constant 640 : i32
    %mul3A_60 = arith.muli %arg1, %mul3A_59 : i32
    %add3A_61 = arith.constant 512 : i32
    %add3A_62 = arith.addi %mul3A_60, %add3A_61 : i32
    "tpu.region"() ({
      %run_scoped3A = tpu.sem_alloc : memref<!tpu.dma_semaphore, #tpu.memory_space<semaphore_mem>>
      %dma_start3A = arith.constant 0 : i32
      %dma_start3A_67 = tpu.memref_slice %arg10[%add3A_62, %dma_start3A] : memref<10240x128xf32, #tpu.memory_space<vmem_shared>> -> memref<128x128xf32, #tpu.memory_space<vmem_shared>>
      %dma_start3A_68 = arith.constant 0 : i32
      %dma_start3A_69 = tpu.memref_slice %arg10[%add3A_62, %dma_start3A_68] : memref<10240x128xf32, #tpu.memory_space<vmem_shared>> -> memref<128x128xf32, #tpu.memory_space<vmem_shared>>
      tpu.enqueue_dma source(%dma_start3A_69 : memref<128x128xf32, #tpu.memory_space<vmem_shared>>) target(%arg9 : memref<128x128xf32, #tpu.memory_space<vmem>>) target_semaphore(%run_scoped3A : memref<!tpu.dma_semaphore, #tpu.memory_space<semaphore_mem>>)
      %dma_wait3A = arith.constant 0 : i32
      %dma_wait3A_70 = tpu.memref_slice %arg10[%add3A_62, %dma_wait3A] : memref<10240x128xf32, #tpu.memory_space<vmem_shared>> -> memref<128x128xf32, #tpu.memory_space<vmem_shared>>
      %dma_wait3A_71 = arith.constant 0 : i32
      %dma_wait3A_72 = tpu.memref_slice %arg10[%add3A_62, %dma_wait3A_71] : memref<10240x128xf32, #tpu.memory_space<vmem_shared>> -> memref<128x128xf32, #tpu.memory_space<vmem_shared>>
      tpu.wait_dma2 semaphore(%run_scoped3A : memref<!tpu.dma_semaphore, #tpu.memory_space<semaphore_mem>>) src(%dma_wait3A_72 : memref<128x128xf32, #tpu.memory_space<vmem_shared>>) dst(%arg9 : memref<128x128xf32, #tpu.memory_space<vmem>>)
      tpu.yield
    }) : () -> ()
    %mul3A_63 = arith.constant 640 : i32
    %mul3A_64 = arith.muli %arg1, %mul3A_63 : i32
    %add3A_65 = arith.constant 512 : i32
    %add3A_66 = arith.addi %mul3A_64, %add3A_65 : i32
    "tpu.region"() ({
      %run_scoped3A = tpu.sem_alloc : memref<!tpu.dma_semaphore, #tpu.memory_space<semaphore_mem>>
      %dma_start3A = arith.constant 0 : i32
      %dma_start3A_67 = tpu.memref_slice %arg6[%arg0, %add3A_66, %dma_start3A] : memref<2x10240x128xf32, #tpu.memory_space<hbm>> -> memref<1x128x128xf32, #tpu.memory_space<hbm>>
      %dma_start3A_68 = tpu.memref_squeeze %dma_start3A_67 : memref<1x128x128xf32, #tpu.memory_space<hbm>> -> memref<128x128xf32, #tpu.memory_space<hbm>>
      %dma_start3A_69 = arith.constant 0 : i32
      %dma_start3A_70 = tpu.memref_slice %arg6[%arg0, %add3A_66, %dma_start3A_69] : memref<2x10240x128xf32, #tpu.memory_space<hbm>> -> memref<1x128x128xf32, #tpu.memory_space<hbm>>
      %dma_start3A_71 = tpu.memref_squeeze %dma_start3A_70 : memref<1x128x128xf32, #tpu.memory_space<hbm>> -> memref<128x128xf32, #tpu.memory_space<hbm>>
      tpu.enqueue_dma source(%arg9 : memref<128x128xf32, #tpu.memory_space<vmem>>) target(%dma_start3A_71 : memref<128x128xf32, #tpu.memory_space<hbm>>) target_semaphore(%run_scoped3A : memref<!tpu.dma_semaphore, #tpu.memory_space<semaphore_mem>>)
      %dma_wait3A = arith.constant 0 : i32
      %dma_wait3A_72 = tpu.memref_slice %arg6[%arg0, %add3A_66, %dma_wait3A] : memref<2x10240x128xf32, #tpu.memory_space<hbm>> -> memref<1x128x128xf32, #tpu.memory_space<hbm>>
      %dma_wait3A_73 = tpu.memref_squeeze %dma_wait3A_72 : memref<1x128x128xf32, #tpu.memory_space<hbm>> -> memref<128x128xf32, #tpu.memory_space<hbm>>
      %dma_wait3A_74 = arith.constant 0 : i32
      %dma_wait3A_75 = tpu.memref_slice %arg6[%arg0, %add3A_66, %dma_wait3A_74] : memref<2x10240x128xf32, #tpu.memory_space<hbm>> -> memref<1x128x128xf32, #tpu.memory_space<hbm>>
      %dma_wait3A_76 = tpu.memref_squeeze %dma_wait3A_75 : memref<1x128x128xf32, #tpu.memory_space<hbm>> -> memref<128x128xf32, #tpu.memory_space<hbm>>
      tpu.wait_dma2 semaphore(%run_scoped3A : memref<!tpu.dma_semaphore, #tpu.memory_space<semaphore_mem>>) src(%arg9 : memref<128x128xf32, #tpu.memory_space<vmem>>) dst(%dma_wait3A_76 : memref<128x128xf32, #tpu.memory_space<hbm>>)
      tpu.yield
    }) : () -> ()
    return
  }
}

module attributes {stable_mosaic.version = 14 : i64} {
  func.func @_tc_mm1_body(%arg0: i32, %arg1: memref<2048x128xf32, #tpu.memory_space<vmem>>, %arg2: memref<128x128xf32, #tpu.memory_space<vmem>>, %arg3: memref<2x2048xf32, #tpu.memory_space<vmem>>, %arg4: memref<2048x128xf32, #tpu.memory_space<vmem>>, %arg5: memref<2048xf32, #tpu.memory_space<vmem>>) attributes {dimension_semantics = [#tpu.dimension_semantics<arbitrary>], iteration_bounds = array<i64: 5>, scalar_prefetch = 0 : i64, scratch_operands = 0 : i64, tpu.core_type = #tpu.core_type<tc>, window_params = [{transform_indices = @transform_0, window_bounds = array<i64: 2048, 128>}, {pipeline_mode = #tpu.pipeline_mode<synchronous>, transform_indices = @transform_1, window_bounds = array<i64: 128, 128>}, {transform_indices = @transform_2, window_bounds = array<i64: 2, 2048>}, {transform_indices = @transform_3, window_bounds = array<i64: 2048, 128>}, {transform_indices = @transform_4, window_bounds = array<i64: 2048>}]} {
    %get3A = arith.constant 0 : index
    %get3A_0 = arith.constant 0 : index
    %get3A_1 = vector.load %arg3[%get3A, %get3A_0] : memref<2x2048xf32, #tpu.memory_space<vmem>>, vector<1x2048xf32>
    %get3A_2 = vector.shape_cast %get3A_1 : vector<1x2048xf32> to vector<2048xf32>
    %get3A_3 = arith.constant 1 : index
    %get3A_4 = arith.constant 0 : index
    %get3A_5 = vector.load %arg3[%get3A_3, %get3A_4] : memref<2x2048xf32, #tpu.memory_space<vmem>>, vector<1x2048xf32>
    %get3A_6 = vector.shape_cast %get3A_5 : vector<1x2048xf32> to vector<2048xf32>
    %add3A = arith.addf %get3A_2, %get3A_6 : vector<2048xf32>
    %add3A_7 = arith.constant 1.000000e+00 : f32
    %add3A_8 = vector.broadcast %add3A_7 : f32 to vector<2048xf32>
    %add3A_9 = arith.addf %add3A, %add3A_8 : vector<2048xf32>
    %rsqrt3A = math.rsqrt %add3A_9 : vector<2048xf32>
    %get3A_10 = arith.constant 0 : index
    %get3A_11 = arith.constant 0 : index
    %get3A_12 = vector.load %arg1[%get3A_10, %get3A_11] : memref<2048x128xf32, #tpu.memory_space<vmem>>, vector<2048x128xf32>
    %get3A_13 = arith.constant 0 : index
    %get3A_14 = arith.constant 0 : index
    %get3A_15 = vector.load %arg2[%get3A_13, %get3A_14] : memref<128x128xf32, #tpu.memory_space<vmem>>, vector<128x128xf32>
    %dot_general3A = arith.constant dense<0.000000e+00> : vector<2048x128xf32>
    %dot_general3A_16 = tpu.matmul %get3A_12, %get3A_15, %dot_general3A {dimension_numbers = #tpu.dot_dimension_numbers<[1], [0], [0], [1], [0, 0, 1, 1], [], []>, transpose_lhs_hint = false} : vector<2048x128xf32>, vector<128x128xf32>, vector<2048x128xf32> -> vector<2048x128xf32>
    %broadcast_in_dim3A = vector.shape_cast %rsqrt3A : vector<2048xf32> to vector<2048x1xf32>
    %mul3A = vector.broadcast %broadcast_in_dim3A : vector<2048x1xf32> to vector<2048x128xf32>
    %mul3A_17 = arith.mulf %dot_general3A_16, %mul3A : vector<2048x128xf32>
    %swap3A = arith.constant 0 : index
    %swap3A_18 = arith.constant 0 : index
    %swap3A_19 = vector.load %arg4[%swap3A, %swap3A_18] : memref<2048x128xf32, #tpu.memory_space<vmem>>, vector<2048x128xf32>
    tpu.vector_store %arg4[%swap3A, %swap3A_18], %mul3A_17 {strides = array<i32>} : memref<2048x128xf32, #tpu.memory_space<vmem>>, vector<2048x128xf32>,
    %swap3A_20 = arith.constant 0 : index
    %swap3A_21 = vector.load %arg5[%swap3A_20] : memref<2048xf32, #tpu.memory_space<vmem>>, vector<2048xf32>
    tpu.vector_store %arg5[%swap3A_20], %rsqrt3A {strides = array<i32>} : memref<2048xf32, #tpu.memory_space<vmem>>, vector<2048xf32>,
    return
  }
  func.func @transform_0(%arg0: i32) -> (i32, i32) {
    %c0_i32 = arith.constant 0 : i32
    %c0_i32_0 = arith.constant 0 : i32
    return %arg0, %c0_i32 : i32, i32
  }
  func.func @transform_1(%arg0: i32) -> (i32, i32) {
    %c0_i32 = arith.constant 0 : i32
    %c0_i32_0 = arith.constant 0 : i32
    %c0_i32_1 = arith.constant 0 : i32
    return %c0_i32, %c0_i32_0 : i32, i32
  }
  func.func @transform_2(%arg0: i32) -> (i32, i32) {
    %c0_i32 = arith.constant 0 : i32
    %c0_i32_0 = arith.constant 0 : i32
    return %c0_i32, %arg0 : i32, i32
  }
  func.func @transform_3(%arg0: i32) -> (i32, i32) {
    %c0_i32 = arith.constant 0 : i32
    %c0_i32_0 = arith.constant 0 : i32
    return %arg0, %c0_i32 : i32, i32
  }
  func.func @transform_4(%arg0: i32) -> i32 {
    %c0_i32 = arith.constant 0 : i32
    return %arg0 : i32
  }
}

module attributes {stable_mosaic.version = 14 : i64} {
  func.func @_tc_mid_body(%arg0: i32, %arg1: memref<2x2048x128xf32, #tpu.memory_space<vmem>>, %arg2: memref<2048x128xf32, #tpu.memory_space<vmem>>, %arg3: memref<2048xf32, #tpu.memory_space<vmem>>, %arg4: memref<128xf32, #tpu.memory_space<vmem>>, %arg5: memref<2048x128xf32, #tpu.memory_space<vmem>>, %arg6: memref<128x128xf32, #tpu.memory_space<vmem>>, %arg7: memref<128x128xf32, #tpu.memory_space<vmem>>, %arg8: memref<2048x128xf32, #tpu.memory_space<vmem>>) attributes {dimension_semantics = [#tpu.dimension_semantics<arbitrary>], iteration_bounds = array<i64: 5>, scalar_prefetch = 0 : i64, scratch_operands = 0 : i64, tpu.core_type = #tpu.core_type<tc>, window_params = [{transform_indices = @transform_0, window_bounds = array<i64: 2, 2048, 128>}, {transform_indices = @transform_1, window_bounds = array<i64: 2048, 128>}, {transform_indices = @transform_2, window_bounds = array<i64: 2048>}, {pipeline_mode = #tpu.pipeline_mode<synchronous>, transform_indices = @transform_3, window_bounds = array<i64: 128>}, {transform_indices = @transform_4, window_bounds = array<i64: 2048, 128>}, {pipeline_mode = #tpu.pipeline_mode<synchronous>, transform_indices = @transform_5, window_bounds = array<i64: 128, 128>}, {pipeline_mode = #tpu.pipeline_mode<synchronous>, transform_indices = @transform_6, window_bounds = array<i64: 128, 128>}, {transform_indices = @transform_7, window_bounds = array<i64: 2048, 128>}]} {
    %get3A = arith.constant 0 : index
    %get3A_0 = vector.load %arg3[%get3A] : memref<2048xf32, #tpu.memory_space<vmem>>, vector<2048xf32>
    %broadcast_in_dim3A = vector.shape_cast %get3A_0 : vector<2048xf32> to vector<2048x1xf32>
    %get3A_1 = arith.constant 0 : index
    %get3A_2 = arith.constant 0 : index
    %get3A_3 = arith.constant 0 : index
    %get3A_4 = vector.load %arg1[%get3A_1, %get3A_2, %get3A_3] : memref<2x2048x128xf32, #tpu.memory_space<vmem>>, vector<1x2048x128xf32>
    %get3A_5 = vector.shape_cast %get3A_4 : vector<1x2048x128xf32> to vector<2048x128xf32>
    %get3A_6 = arith.constant 1 : index
    %get3A_7 = arith.constant 0 : index
    %get3A_8 = arith.constant 0 : index
    %get3A_9 = vector.load %arg1[%get3A_6, %get3A_7, %get3A_8] : memref<2x2048x128xf32, #tpu.memory_space<vmem>>, vector<1x2048x128xf32>
    %get3A_10 = vector.shape_cast %get3A_9 : vector<1x2048x128xf32> to vector<2048x128xf32>
    %add3A = arith.addf %get3A_5, %get3A_10 : vector<2048x128xf32>
    %get3A_11 = arith.constant 0 : index
    %get3A_12 = arith.constant 0 : index
    %get3A_13 = vector.load %arg2[%get3A_11, %get3A_12] : memref<2048x128xf32, #tpu.memory_space<vmem>>, vector<2048x128xf32>
    %add3A_14 = arith.addf %add3A, %get3A_13 : vector<2048x128xf32>
    %mul3A = vector.broadcast %broadcast_in_dim3A : vector<2048x1xf32> to vector<2048x128xf32>
    %mul3A_15 = arith.mulf %mul3A, %add3A_14 : vector<2048x128xf32>
    %get3A_16 = arith.constant 0 : index
    %get3A_17 = vector.load %arg4[%get3A_16] : memref<128xf32, #tpu.memory_space<vmem>>, vector<128xf32>
    %broadcast_in_dim3A_18 = vector.shape_cast %get3A_17 : vector<128xf32> to vector<1x128xf32>
    %add3A_19 = vector.broadcast %broadcast_in_dim3A_18 : vector<1x128xf32> to vector<2048x128xf32>
    %add3A_20 = arith.addf %mul3A_15, %add3A_19 : vector<2048x128xf32>
    %max3A = arith.constant 0.000000e+00 : f32
    %max3A_21 = vector.broadcast %max3A : f32 to vector<2048x128xf32>
    %max3A_22 = arith.maximumf %add3A_20, %max3A_21 : vector<2048x128xf32>
    %get3A_23 = arith.constant 0 : index
    %get3A_24 = arith.constant 0 : index
    %get3A_25 = vector.load %arg6[%get3A_23, %get3A_24] : memref<128x128xf32, #tpu.memory_space<vmem>>, vector<128x128xf32>
    %dot_general3A = arith.constant dense<0.000000e+00> : vector<2048x128xf32>
    %dot_general3A_26 = tpu.matmul %max3A_22, %get3A_25, %dot_general3A {dimension_numbers = #tpu.dot_dimension_numbers<[1], [0], [0], [1], [0, 0, 1, 1], [], []>, transpose_lhs_hint = false} : vector<2048x128xf32>, vector<128x128xf32>, vector<2048x128xf32> -> vector<2048x128xf32>
    %get3A_27 = arith.constant 0 : index
    %get3A_28 = arith.constant 0 : index
    %get3A_29 = vector.load %arg5[%get3A_27, %get3A_28] : memref<2048x128xf32, #tpu.memory_space<vmem>>, vector<2048x128xf32>
    %get3A_30 = arith.constant 0 : index
    %get3A_31 = arith.constant 0 : index
    %get3A_32 = vector.load %arg7[%get3A_30, %get3A_31] : memref<128x128xf32, #tpu.memory_space<vmem>>, vector<128x128xf32>
    %dot_general3A_33 = arith.constant dense<0.000000e+00> : vector<2048x128xf32>
    %dot_general3A_34 = tpu.matmul %get3A_29, %get3A_32, %dot_general3A_33 {dimension_numbers = #tpu.dot_dimension_numbers<[1], [0], [0], [1], [0, 0, 1, 1], [], []>, transpose_lhs_hint = false} : vector<2048x128xf32>, vector<128x128xf32>, vector<2048x128xf32> -> vector<2048x128xf32>
    %add3A_35 = arith.addf %dot_general3A_26, %dot_general3A_34 : vector<2048x128xf32>
    %broadcast_in_dim3A_36 = vector.shape_cast %get3A_0 : vector<2048xf32> to vector<2048x1xf32>
    %mul3A_37 = vector.broadcast %broadcast_in_dim3A_36 : vector<2048x1xf32> to vector<2048x128xf32>
    %mul3A_38 = arith.mulf %add3A_35, %mul3A_37 : vector<2048x128xf32>
    %swap3A = arith.constant 0 : index
    %swap3A_39 = arith.constant 0 : index
    %swap3A_40 = vector.load %arg8[%swap3A, %swap3A_39] : memref<2048x128xf32, #tpu.memory_space<vmem>>, vector<2048x128xf32>
    tpu.vector_store %arg8[%swap3A, %swap3A_39], %mul3A_38 {strides = array<i32>} : memref<2048x128xf32, #tpu.memory_space<vmem>>, vector<2048x128xf32>,
    return
  }
  func.func @transform_0(%arg0: i32) -> (i32, i32, i32) {
    %c0_i32 = arith.constant 0 : i32
    %c0_i32_0 = arith.constant 0 : i32
    %c0_i32_1 = arith.constant 0 : i32
    return %c0_i32, %arg0, %c0_i32_0 : i32, i32, i32
  }
  func.func @transform_1(%arg0: i32) -> (i32, i32) {
    %c0_i32 = arith.constant 0 : i32
    %c0_i32_0 = arith.constant 0 : i32
    return %arg0, %c0_i32 : i32, i32
  }
  func.func @transform_2(%arg0: i32) -> i32 {
    %c0_i32 = arith.constant 0 : i32
    return %arg0 : i32
  }
  func.func @transform_3(%arg0: i32) -> i32 {
    %c0_i32 = arith.constant 0 : i32
    %c0_i32_0 = arith.constant 0 : i32
    return %c0_i32 : i32
  }
  func.func @transform_4(%arg0: i32) -> (i32, i32) {
    %c0_i32 = arith.constant 0 : i32
    %c0_i32_0 = arith.constant 0 : i32
    return %arg0, %c0_i32 : i32, i32
  }
  func.func @transform_5(%arg0: i32) -> (i32, i32) {
    %c0_i32 = arith.constant 0 : i32
    %c0_i32_0 = arith.constant 0 : i32
    %c0_i32_1 = arith.constant 0 : i32
    return %c0_i32, %c0_i32_0 : i32, i32
  }
  func.func @transform_6(%arg0: i32) -> (i32, i32) {
    %c0_i32 = arith.constant 0 : i32
    %c0_i32_0 = arith.constant 0 : i32
    %c0_i32_1 = arith.constant 0 : i32
    return %c0_i32, %c0_i32_0 : i32, i32
  }
  func.func @transform_7(%arg0: i32) -> (i32, i32) {
    %c0_i32 = arith.constant 0 : i32
    %c0_i32_0 = arith.constant 0 : i32
    return %arg0, %c0_i32 : i32, i32
  }
}

module attributes {stable_mosaic.version = 14 : i64} {
  func.func @_tc_head_body(%arg0: i32, %arg1: memref<2x2048x128xf32, #tpu.memory_space<vmem>>, %arg2: memref<2048x128xf32, #tpu.memory_space<vmem>>, %arg3: memref<2048xf32, #tpu.memory_space<vmem>>, %arg4: memref<128xf32, #tpu.memory_space<vmem>>, %arg5: memref<2048x128xf32, #tpu.memory_space<vmem>>, %arg6: memref<128x128xf32, #tpu.memory_space<vmem>>, %arg7: memref<128x128xf32, #tpu.memory_space<vmem>>, %arg8: memref<128xf32, #tpu.memory_space<vmem>>, %arg9: memref<128x1xf32, #tpu.memory_space<vmem>>, %arg10: memref<128x1xf32, #tpu.memory_space<vmem>>, %arg11: memref<128xf32, #tpu.memory_space<vmem>>, %arg12: memref<2048xf32, #tpu.memory_space<vmem>>) attributes {dimension_semantics = [#tpu.dimension_semantics<arbitrary>], iteration_bounds = array<i64: 5>, scalar_prefetch = 0 : i64, scratch_operands = 0 : i64, tpu.core_type = #tpu.core_type<tc>, window_params = [{transform_indices = @transform_0, window_bounds = array<i64: 2, 2048, 128>}, {transform_indices = @transform_1, window_bounds = array<i64: 2048, 128>}, {transform_indices = @transform_2, window_bounds = array<i64: 2048>}, {pipeline_mode = #tpu.pipeline_mode<synchronous>, transform_indices = @transform_3, window_bounds = array<i64: 128>}, {transform_indices = @transform_4, window_bounds = array<i64: 2048, 128>}, {pipeline_mode = #tpu.pipeline_mode<synchronous>, transform_indices = @transform_5, window_bounds = array<i64: 128, 128>}, {pipeline_mode = #tpu.pipeline_mode<synchronous>, transform_indices = @transform_6, window_bounds = array<i64: 128, 128>}, {pipeline_mode = #tpu.pipeline_mode<synchronous>, transform_indices = @transform_7, window_bounds = array<i64: 128>}, {pipeline_mode = #tpu.pipeline_mode<synchronous>, transform_indices = @transform_8, window_bounds = array<i64: 128, 1>}, {pipeline_mode = #tpu.pipeline_mode<synchronous>, transform_indices = @transform_9, window_bounds = array<i64: 128, 1>}, {pipeline_mode = #tpu.pipeline_mode<synchronous>, transform_indices = @transform_10, window_bounds = array<i64: 128>}, {transform_indices = @transform_11, window_bounds = array<i64: 2048>}]} {
    %get3A = arith.constant 0 : index
    %get3A_0 = vector.load %arg3[%get3A] : memref<2048xf32, #tpu.memory_space<vmem>>, vector<2048xf32>
    %broadcast_in_dim3A = vector.shape_cast %get3A_0 : vector<2048xf32> to vector<2048x1xf32>
    %get3A_1 = arith.constant 0 : index
    %get3A_2 = arith.constant 0 : index
    %get3A_3 = arith.constant 0 : index
    %get3A_4 = vector.load %arg1[%get3A_1, %get3A_2, %get3A_3] : memref<2x2048x128xf32, #tpu.memory_space<vmem>>, vector<1x2048x128xf32>
    %get3A_5 = vector.shape_cast %get3A_4 : vector<1x2048x128xf32> to vector<2048x128xf32>
    %get3A_6 = arith.constant 1 : index
    %get3A_7 = arith.constant 0 : index
    %get3A_8 = arith.constant 0 : index
    %get3A_9 = vector.load %arg1[%get3A_6, %get3A_7, %get3A_8] : memref<2x2048x128xf32, #tpu.memory_space<vmem>>, vector<1x2048x128xf32>
    %get3A_10 = vector.shape_cast %get3A_9 : vector<1x2048x128xf32> to vector<2048x128xf32>
    %add3A = arith.addf %get3A_5, %get3A_10 : vector<2048x128xf32>
    %get3A_11 = arith.constant 0 : index
    %get3A_12 = arith.constant 0 : index
    %get3A_13 = vector.load %arg2[%get3A_11, %get3A_12] : memref<2048x128xf32, #tpu.memory_space<vmem>>, vector<2048x128xf32>
    %add3A_14 = arith.addf %add3A, %get3A_13 : vector<2048x128xf32>
    %mul3A = vector.broadcast %broadcast_in_dim3A : vector<2048x1xf32> to vector<2048x128xf32>
    %mul3A_15 = arith.mulf %mul3A, %add3A_14 : vector<2048x128xf32>
    %get3A_16 = arith.constant 0 : index
    %get3A_17 = vector.load %arg4[%get3A_16] : memref<128xf32, #tpu.memory_space<vmem>>, vector<128xf32>
    %broadcast_in_dim3A_18 = vector.shape_cast %get3A_17 : vector<128xf32> to vector<1x128xf32>
    %add3A_19 = vector.broadcast %broadcast_in_dim3A_18 : vector<1x128xf32> to vector<2048x128xf32>
    %add3A_20 = arith.addf %mul3A_15, %add3A_19 : vector<2048x128xf32>
    %max3A = arith.constant 0.000000e+00 : f32
    %max3A_21 = vector.broadcast %max3A : f32 to vector<2048x128xf32>
    %max3A_22 = arith.maximumf %add3A_20, %max3A_21 : vector<2048x128xf32>
    %get3A_23 = arith.constant 0 : index
    %get3A_24 = arith.constant 0 : index
    %get3A_25 = vector.load %arg5[%get3A_23, %get3A_24] : memref<2048x128xf32, #tpu.memory_space<vmem>>, vector<2048x128xf32>
    %get3A_26 = arith.constant 0 : index
    %get3A_27 = arith.constant 0 : index
    %get3A_28 = vector.load %arg6[%get3A_26, %get3A_27] : memref<128x128xf32, #tpu.memory_space<vmem>>, vector<128x128xf32>
    %dot_general3A = arith.constant dense<0.000000e+00> : vector<2048x128xf32>
    %dot_general3A_29 = tpu.matmul %get3A_25, %get3A_28, %dot_general3A {dimension_numbers = #tpu.dot_dimension_numbers<[1], [0], [0], [1], [0, 0, 1, 1], [], []>, transpose_lhs_hint = false} : vector<2048x128xf32>, vector<128x128xf32>, vector<2048x128xf32> -> vector<2048x128xf32>
    %get3A_30 = arith.constant 0 : index
    %get3A_31 = arith.constant 0 : index
    %get3A_32 = vector.load %arg7[%get3A_30, %get3A_31] : memref<128x128xf32, #tpu.memory_space<vmem>>, vector<128x128xf32>
    %dot_general3A_33 = arith.constant dense<0.000000e+00> : vector<2048x128xf32>
    %dot_general3A_34 = tpu.matmul %max3A_22, %get3A_32, %dot_general3A_33 {dimension_numbers = #tpu.dot_dimension_numbers<[1], [0], [0], [1], [0, 0, 1, 1], [], []>, transpose_lhs_hint = false} : vector<2048x128xf32>, vector<128x128xf32>, vector<2048x128xf32> -> vector<2048x128xf32>
    %add3A_35 = arith.addf %dot_general3A_29, %dot_general3A_34 : vector<2048x128xf32>
    %get3A_36 = arith.constant 0 : index
    %get3A_37 = vector.load %arg8[%get3A_36] : memref<128xf32, #tpu.memory_space<vmem>>, vector<128xf32>
    %broadcast_in_dim3A_38 = vector.shape_cast %get3A_37 : vector<128xf32> to vector<1x128xf32>
    %add3A_39 = vector.broadcast %broadcast_in_dim3A_38 : vector<1x128xf32> to vector<2048x128xf32>
    %add3A_40 = arith.addf %add3A_35, %add3A_39 : vector<2048x128xf32>
    %max3A_41 = arith.constant 0.000000e+00 : f32
    %max3A_42 = vector.broadcast %max3A_41 : f32 to vector<2048x128xf32>
    %max3A_43 = arith.maximumf %add3A_40, %max3A_42 : vector<2048x128xf32>
    %get3A_44 = arith.constant 0 : index
    %get3A_45 = arith.constant 0 : index
    %get3A_46 = vector.load %arg5[%get3A_44, %get3A_45] : memref<2048x128xf32, #tpu.memory_space<vmem>>, vector<2048x128xf32>
    %get3A_47 = arith.constant 0 : index
    %get3A_48 = arith.constant 0 : index
    %get3A_49 = vector.load %arg9[%get3A_47, %get3A_48] : memref<128x1xf32, #tpu.memory_space<vmem>>, vector<128x1xf32>
    %dot_general3A_50 = arith.constant dense<0.000000e+00> : vector<2048x1xf32>
    %dot_general3A_51 = tpu.matmul %get3A_46, %get3A_49, %dot_general3A_50 {dimension_numbers = #tpu.dot_dimension_numbers<[1], [0], [0], [1], [0, 0, 1, 1], [], []>, transpose_lhs_hint = false} : vector<2048x128xf32>, vector<128x1xf32>, vector<2048x1xf32> -> vector<2048x1xf32>
    %get3A_52 = arith.constant 0 : index
    %get3A_53 = arith.constant 0 : index
    %get3A_54 = vector.load %arg10[%get3A_52, %get3A_53] : memref<128x1xf32, #tpu.memory_space<vmem>>, vector<128x1xf32>
    %dot_general3A_55 = arith.constant dense<0.000000e+00> : vector<2048x1xf32>
    %dot_general3A_56 = tpu.matmul %max3A_43, %get3A_54, %dot_general3A_55 {dimension_numbers = #tpu.dot_dimension_numbers<[1], [0], [0], [1], [0, 0, 1, 1], [], []>, transpose_lhs_hint = false} : vector<2048x128xf32>, vector<128x1xf32>, vector<2048x1xf32> -> vector<2048x1xf32>
    %add3A_57 = arith.addf %dot_general3A_51, %dot_general3A_56 : vector<2048x1xf32>
    %squeeze3A = vector.shape_cast %add3A_57 : vector<2048x1xf32> to vector<2048xf32>
    %get3A_58 = arith.constant 0 : index
    %get3A_59 = vector.load %arg11[%get3A_58] : memref<128xf32, #tpu.memory_space<vmem>>, vector<1xf32>
    %get3A_60 = vector.extract %get3A_59[0] : f32 from vector<1xf32>
    %add3A_61 = vector.broadcast %get3A_60 : f32 to vector<2048xf32>
    %add3A_62 = arith.addf %squeeze3A, %add3A_61 : vector<2048xf32>
    %logistic3A = arith.negf %add3A_62 : vector<2048xf32>
    %logistic3A_63 = math.exp %logistic3A : vector<2048xf32>
    %logistic3A_64 = arith.constant 1.000000e+00 : f32
    %logistic3A_65 = vector.broadcast %logistic3A_64 : f32 to vector<2048xf32>
    %logistic3A_66 = arith.addf %logistic3A_65, %logistic3A_63 : vector<2048xf32>
    %logistic3A_67 = arith.divf %logistic3A_65, %logistic3A_66 : vector<2048xf32>
    %swap3A = arith.constant 0 : index
    %swap3A_68 = vector.load %arg12[%swap3A] : memref<2048xf32, #tpu.memory_space<vmem>>, vector<2048xf32>
    tpu.vector_store %arg12[%swap3A], %logistic3A_67 {strides = array<i32>} : memref<2048xf32, #tpu.memory_space<vmem>>, vector<2048xf32>,
    return
  }
  func.func @transform_0(%arg0: i32) -> (i32, i32, i32) {
    %c0_i32 = arith.constant 0 : i32
    %c0_i32_0 = arith.constant 0 : i32
    %c0_i32_1 = arith.constant 0 : i32
    return %c0_i32, %arg0, %c0_i32_0 : i32, i32, i32
  }
  func.func @transform_1(%arg0: i32) -> (i32, i32) {
    %c0_i32 = arith.constant 0 : i32
    %c0_i32_0 = arith.constant 0 : i32
    return %arg0, %c0_i32 : i32, i32
  }
  func.func @transform_2(%arg0: i32) -> i32 {
    %c0_i32 = arith.constant 0 : i32
    return %arg0 : i32
  }
  func.func @transform_3(%arg0: i32) -> i32 {
    %c0_i32 = arith.constant 0 : i32
    %c0_i32_0 = arith.constant 0 : i32
    return %c0_i32 : i32
  }
  func.func @transform_4(%arg0: i32) -> (i32, i32) {
    %c0_i32 = arith.constant 0 : i32
    %c0_i32_0 = arith.constant 0 : i32
    return %arg0, %c0_i32 : i32, i32
  }
  func.func @transform_5(%arg0: i32) -> (i32, i32) {
    %c0_i32 = arith.constant 0 : i32
    %c0_i32_0 = arith.constant 0 : i32
    %c0_i32_1 = arith.constant 0 : i32
    return %c0_i32, %c0_i32_0 : i32, i32
  }
  func.func @transform_6(%arg0: i32) -> (i32, i32) {
    %c0_i32 = arith.constant 0 : i32
    %c0_i32_0 = arith.constant 0 : i32
    %c0_i32_1 = arith.constant 0 : i32
    return %c0_i32, %c0_i32_0 : i32, i32
  }
  func.func @transform_7(%arg0: i32) -> i32 {
    %c0_i32 = arith.constant 0 : i32
    %c0_i32_0 = arith.constant 0 : i32
    return %c0_i32 : i32
  }
  func.func @transform_8(%arg0: i32) -> (i32, i32) {
    %c0_i32 = arith.constant 0 : i32
    %c0_i32_0 = arith.constant 0 : i32
    %c0_i32_1 = arith.constant 0 : i32
    return %c0_i32, %c0_i32_0 : i32, i32
  }
  func.func @transform_9(%arg0: i32) -> (i32, i32) {
    %c0_i32 = arith.constant 0 : i32
    %c0_i32_0 = arith.constant 0 : i32
    %c0_i32_1 = arith.constant 0 : i32
    return %c0_i32, %c0_i32_0 : i32, i32
  }
  func.func @transform_10(%arg0: i32) -> i32 {
    %c0_i32 = arith.constant 0 : i32
    %c0_i32_0 = arith.constant 0 : i32
    return %c0_i32 : i32
  }
  func.func @transform_11(%arg0: i32) -> i32 {
    %c0_i32 = arith.constant 0 : i32
    return %arg0 : i32
  }
}

</mosaic_0001>

<sc_bundles>
// kernel: kernel.11.cloned.1.call-start
scs
__scs_entry_jumppad:
0x0: {  	(pc) =	sbr.rel $0x88, $3  }
0x1: {  	(tag) =	ssettag $0x0;
	lr =	simm.s32 $0x1  }
0x2: {  	[smem:$0x3F97] =	sst lr;
	_ =	strace $0xD0000000  }
0x3: {  	_ = 	snop  }
0x4: {  	_ = 	snop  }
0x5: {  	_ = 	snop  }
0x6: {  	_ = 	snop  }
0x7: {  	_ = 	snop  }
__scs_overlays_trampoline_lowered:
0x8: {  	[smem:$0x3FA6] =	sst s0  }
0x9: {  	[smem:$0x3FA7] =	sst s1  }
0xa: {  	[smem:$0x3FA8] =	sst s2  }
0xb: {  	[smem:$0x3FA9] =	sst s3  }
0xc: {  	[smem:$0x3FAA] =	sst s4  }
0xd: {  	[smem:$0x3FAB] =	sst s5  }
0xe: {  	[smem:$0x3FAC] =	sst s6  }
0xf: {  	[smem:$0x3FAD] =	sst s7  }
0x10: {  	[smem:$0x3FAE] =	sst s8  }
0x11: {  	[smem:$0x3FAF] =	sst s9;
	s0 =	simm.s32 @!p0 $0x0  }
0x12: {  	s1 =	sld [smem:$0x3F95];
	s0 =	simm.s32 @p0 $0x1  }
0x13: {  	[smem:$0x3FB0] =	sst s0;
	s0 =	simm.s32 @!p1 $0x0  }
0x14: {  	s2 =	sld [smem:$0x3F94];
	s0 =	simm.s32 @p1 $0x1  }
0x15: {  	[smem:$0x3FB1] =	sst s0;
	s0 =	simm.s32 @!p2 $0x0  }
0x16: {  	s3 =	sld [smem:$0x3FDB];
	s0 =	simm.s32 @p2 $0x1  }
0x17: {  	s4 =	simm.s32 $0x1BF5;
	[smem:$0x3FB3] =	sst s0  }
0x18: {  	s0 =	sld [smem:$0x3F96];
	_ =	swait.ge [sflag:s4], $0x0  }
0x19: {  	s7 =	sld [smem:$0x3F97]  }
0x1a: {  	s8 =	sadd.s32 $0xFFFFE003, lr  }
0x1b: {  	s9 =	sadd.s32 $0xFFFFFEF7, lr;
	s5 =	simm.s32 $0xFFFFFFFF;
	p2 =	slt.u32 s8, $0xFFFFF086  }
0x1c: {  	p1 =	slt.u32 s9, $0xF7A;
	s5 =	simm.s32 @!p2 $0x0  }
0x1d: {  	s5 =	simm.s32 @p1 $0x1;
	p0 =	seq.s32 s7, s2  }
0x1e: {  	s7 =	smul.u32 @!p0 $0xF7A, s2;
	p2 =	seq.s32 @!p0 s5, $0x0  }
0x1f: {  	s9 =	smul.u32 $0xF7A, s1;
	s8 =	simm.s32 @!p0 $0x1BF5;
	p2 =	por !p2, p0  }
0x20: {  	[sflag:s8] =	ssyncset.s32 @!p0 $0xFFFFF086;
	s6 =	sadd.s32 @!p0 s3, s7;
	s7 =	simm.s32 @!p0 $0x108  }
0x21: {  	s3 =	sadd.s32 s3, s9;
	s6 =	sadd.s32 @!p0 $0x88, s6;
	s7 =	simm.s32 @p2 $0x1082  }
0x22: {  	[simem:s7], [sflag:s8] =	dma.local @!p0 [hbm:s6], $0xF7A  }
0x23: {  	s9 =	sor.u32 $0xD0000000, s2;
	s6 =	simm.s32 $0x108;
	_ =	swait.ge @!p0 [sflag:s8], $0x0  }
0x24: {  	s3 =	sadd.s32 $0x88, s3;
	s6 =	simm.s32 @!p1 $0x1082;
	[sflag:s4] =	ssyncset.s32 $0xFFFFF086  }
0x25: {  	[simem:s6], [sflag:s4] =	dma.local [hbm:s3], $0xF7A  }
0x26: {  	[smem:$0x3F97] =	sst s1;
	(tag) =	ssettag s2;
	_ =	strace s9  }
0x27: {  	s1 =	sld [smem:$0x3FA7]  }
0x28: {  	s2 =	sld [smem:$0x3FA8]  }
0x29: {  	s4 =	sld [smem:$0x3FAA]  }
0x2a: {  	p0 =	seq.s32 s5, $0x0;
	s5 =	sld [smem:$0x3FAB]  }
0x2b: {  	s6 =	sld [smem:$0x3FAC]  }
0x2c: {  	s7 =	sld [smem:$0x3FAD]  }
0x2d: {  	s3 =	simm.s32 $0x108;
	s8 =	sld [smem:$0x3FAE]  }
0x2e: {  	s3 =	simm.s32 @!p0 $0x1082;
	s9 =	sld [smem:$0x3FAF]  }
0x2f: {  	lr =	sadd.s32 s0, s3;
	s0 =	sld [smem:$0x3FA6]  }
0x30: {  	s3 =	sld [smem:$0x3FA9]  }
0x31: {  	[smem:$0x3FB2] =	sst s10  }
0x32: {  	s10 =	sld [smem:$0x3FB0];
	_ =	sdelay $0x3  }
0x33: {  	p0 =	seq.s32 s10, $0x1;
	s10 =	sld [smem:$0x3FB2];
	_ =	sdelay $0x3  }
0x34: {  	[smem:$0x3FB2] =	sst s10  }
0x35: {  	s10 =	sld [smem:$0x3FB1];
	_ =	sdelay $0x3  }
0x36: {  	p1 =	seq.s32 s10, $0x1;
	s10 =	sld [smem:$0x3FB2];
	_ =	sdelay $0x3  }
0x37: {  	[smem:$0x3FB2] =	sst s10  }
0x38: {  	s10 =	sld [smem:$0x3FB3]  }
0x39: {  	_ = 	snop;
	(pc) =	sbr.ind lr, $3  }
0x3a: {  	_ = 	snop  }
0x3b: {  	_ = 	snop  }
0x3c: {  	p2 =	seq.s32 s10, $0x1;
	s10 =	sld [smem:$0x3FB2]  }
0x3d: {  	_ =	shalt  }
0x3e: {  	_ =	shalt  }
0x3f: {  	_ =	shalt  }
0x40: {  	_ =	shalt  }
0x41: {  	_ =	shalt  }
0x42: {  	_ =	shalt  }
0x43: {  	_ =	shalt  }
0x44: {  	_ =	shalt  }
0x45: {  	_ =	shalt  }
0x46: {  	_ =	shalt  }
0x47: {  	_ =	shalt  }
0x48: {  	_ =	shalt  }
0x49: {  	_ =	shalt  }
0x4a: {  	_ =	shalt  }
0x4b: {  	_ =	shalt  }
0x4c: {  	_ =	shalt  }
0x4d: {  	_ =	shalt  }
0x4e: {  	_ =	shalt  }
0x4f: {  	_ =	shalt  }
0x50: {  	_ =	shalt  }
0x51: {  	_ =	shalt  }
0x52: {  	_ =	shalt  }
0x53: {  	_ =	shalt  }
0x54: {  	_ =	shalt  }
0x55: {  	_ =	shalt  }
0x56: {  	_ =	shalt  }
0x57: {  	_ =	shalt  }
0x58: {  	_ =	shalt  }
0x59: {  	_ =	shalt  }
0x5a: {  	_ =	shalt  }
0x5b: {  	_ =	shalt  }
0x5c: {  	_ =	shalt  }
0x5d: {  	_ =	shalt  }
0x5e: {  	_ =	shalt  }
0x5f: {  	_ =	shalt  }
0x60: {  	_ =	shalt  }
0x61: {  	_ =	shalt  }
0x62: {  	_ =	shalt  }
0x63: {  	_ =	shalt  }
0x64: {  	_ =	shalt  }
0x65: {  	_ =	shalt  }
0x66: {  	_ =	shalt  }
0x67: {  	_ =	shalt  }
0x68: {  	_ =	shalt  }
0x69: {  	_ =	shalt  }
0x6a: {  	_ =	shalt  }
0x6b: {  	_ =	shalt  }
0x6c: {  	_ =	shalt  }
0x6d: {  	_ =	shalt  }
0x6e: {  	_ =	shalt  }
0x6f: {  	_ =	shalt  }
0x70: {  	_ =	shalt  }
0x71: {  	_ =	shalt  }
0x72: {  	_ =	shalt  }
0x73: {  	_ =	shalt  }
0x74: {  	_ =	shalt  }
0x75: {  	_ =	shalt  }
0x76: {  	_ =	shalt  }
0x77: {  	_ =	shalt  }
0x78: {  	_ =	shalt  }
0x79: {  	_ =	shalt  }
0x7a: {  	_ =	shalt  }
0x7b: {  	_ =	shalt  }
0x7c: {  	_ =	shalt  }
0x7d: {  	_ =	shalt  }
0x7e: {  	_ =	shalt  }
0x7f: {  	_ =	shalt  }
0x80: {  	_ =	shalt  }
0x81: {  	_ =	shalt  }
0x82: {  	_ =	shalt  }
0x83: {  	_ =	shalt  }
0x84: {  	_ =	shalt  }
0x85: {  	_ =	shalt  }
0x86: {  	_ =	shalt  }
0x87: {  	_ =	shalt  }
.Lfunc_end0:
.L_simem_size_0:
called_computation.1_lowered:
.L_overlay_start_0:
0x88: {  	s2 =	sld [smem:$0x3FD9]  }
0x89: {  	s3 =	sld [smem:$0x3FFE];
	_ =	sdelay $0x1  }
0x8a: {  	s1 =	srdreg.scid  }
0x8b: {  	s0 =	sand.u32 $0x1, s1  }
0x8c: {  	s16 =	sshll.u32 s0, $0xA;
	s2 =	sadd.s32 s3, s2  }
0x8d: {  	s2 =	sadd.s32 s2, s16  }
0x8e: {  	[smem:$0x3FBE] =	sst s2  }
0x8f: {  	_ = 	snop  }
0x90: {  	(tm) =	ssettm $0x1  }
0x91: {  	s17 =	sld [smem:$0x3FFB];
	_ =	sdelay $0x3  }
0x92: {  	_ =	strace s17  }
0x93: {  	s2 =	sld [smem:$0x3FFC];
	_ =	sdelay $0x3  }
0x94: {  	_ =	strace s2  }
0x95: {  	s2 =	sld [smem:$0x3FFD];
	_ =	sdelay $0x3  }
0x96: {  	_ =	strace s2  }
0x97: {  	_ =	strace $0x8FFFFFFF  }
0x98: {  	s18 =	sld [smem:$0x3FDB];
	_ =	sdelay $0x1  }
0x99: {  	s19 =	simm.s32 $_scs_section_size  }
0x9a: {  	s4 =	simm.s32 $_size__tile_overlayer_lowered;
	s5 =	simm.s32 $_tile_overlayer_lowered  }
0x9b: {  	s22 =	simm.s32 $0x1BFF;
	s21 =	sshll.u32 s5, $0x1;
	s2 =	sadd.s32 s19, s18  }
0x9c: {  	s6 =	simm.s32 $0x0;
	s20 =	sshll.u32 s4, $0x1;
	s4 =	sadd.s32 s21, s2  }
0x9d: {  	[timem:s6], [sflag:s22] =	dma.local [hbm:s4], s20  }
0x9e: {  	_ =	swait.ge [sflag:s22], s20  }
0x9f: {  	s3 =	ssub.s32 $0x0, s20;
	[sflag:s22] =	ssyncset.done $0x0  }
0xa0: {  	[sflag:s22] =	ssyncadd.s32 s3;
	_ =	sdelay $0x1  }
0xa1: {  	s23 =	simm.s32 $0x1B8B  }
0xa2: {  	_ =	swait.ge [sflag:s23], $0x1  }
0xa3: {  	[sflag:s23] =	ssyncset.done $0x0  }
0xa4: {  	s25 =	simm.s32 $0x1B8E;
	s24 =	sld [smem:$0x3FFE];
	[sflag:s23] =	ssyncadd.s32 $0xFFFFFFFF  }
0xa5: {  	s26 =	simm.s32 $execute0_lowered;
	[smem:$0x3FD2] =	sst s25  }
0xa6: {  	s4 =	sshll.u32 s26, $0x1;
	_ =	strace $0x80000049;
	[dreg:$0x1] =	wrdreg $0xFFFFFFFF  }
0xa7: {  	s28 =	simm.s32 $_size_execute0_lowered;
	s2 =	sadd.s32 s2, s4;
	[dreg:$0x0] =	wrdreg $0x0  }
0xa8: {  	s4 =	sshll.u32 s28, $0x1;
	[dreg:$0x2] =	wrdreg s2  }
0xa9: {  	[dreg:$0x3] =	wrdreg s4  }
0xaa: {  	[dreg:$0x4] =	wrdreg $0xC0  }
0xab: {  	_ =	task [dreg:s6], $0x5FFFF  }
0xac: {  	[dreg:$0x1] =	wrdreg $0xFFFFFFFF  }
0xad: {  	[dreg:$0x0] =	wrdreg $0x60  }
0xae: {  	[dreg:$0x2] =	wrdreg s24  }
0xaf: {  	[dreg:$0x3] =	wrdreg $0x90000  }
0xb0: {  	[dreg:$0x4] =	wrdreg $0x9  }
0xb1: {  	_ =	task.clear_ibuf [dreg:s6], $0x5FFFF;
	_ =	strace $0x90000049  }
0xb2: {  	s29 =	simm.s32 $0x9;
	_ =	strace $0x8000004B  }
0xb3: {  	_ =	swait.ge [sflag:s29], $0x1  }
0xb4: {  	[sflag:s29] =	ssyncadd.s32 $0xFFFFFFFF  }
0xb5: {  	_ =	strace $0x9000004B  }
0xb6: {  	_ =	sfence  }
0xb7: {  	s30 =	sld [smem:$0x0];
	_ =	sdelay $0x2  }
0xb8: {  	s31 =	sshll.u32 s1, $0xD;
	s1 =	sshrl.u32 s1, $0x2  }
0xb9: {  	s3 =	sand.u32 $0x4000, s31;
	s1 =	sadd.s32 s1, s30  }
0xba: {  	s0 =	sor.u32 s3, s0;
	s1 =	sshll.u32 s1, $0x11  }
0xbb: {  	s0 =	sor.u32 s1, s0  }
0xbc: {  	s0 =	sadd.s32 $0x8F2B, s0  }
0xbd: {  	[sflag:s0] =	ssyncadd.remote.s32 $0x1  }
0xbe: {  	_ =	sfence.sel $0xFFFF  }
0xbf: {  	[dreg:$0x0] =	wrdreg $0xFFFFFFFF;
	(pc) =	sbr.abs _section_cstart, $3  }
0xc0: {  	[dreg:$0x1] =	wrdreg $0xFFFFFFFF  }
0xc1: {  	_ =	task.clear_ibuf [dreg:s6], $0x2FFFF;
	_ =	strace $0x9FFFFFFF  }
0xc2: {  	(tm) =	ssettm $0x7FFFFFFF  }
0xc3: {  	_ =	shalt  }
tec
execute0_lowered:
.L_overlay_start_1:
0x0: {  	(tag) =	ssettag $0x1  }
0x1: {  	s0 =	srdreg.scid;
	s6 =	rddreg [dreg:$0x0]  }
0x2: {  	s2 =	rddreg [dreg:$0x1];
	s3 =	simm.s32 $0x0;
	s22 =	simm.s32 $0x80  }
0x3: {  	s23 =	simm.s32 $0x1;
	s9 =	sand.u32 $0x1, s0;
	s0 =	stileid.u32  }
0x4: {  	s24 =	simm.s32 $0x0;
	[smem:$0x7FF] =	sst s3;
	s10 =	smul.u32 $0x50000, s0  }
0x5: {  	s17 =	sadd.s32 $0x40000, s6;
	s1 =	sshll.u32 s9, $0x4;
	s12 =	smul.u32 $0x14000, s0  }
0x6: {  	s8 =	ssub.s32 $0x2, s9;
	s19 =	smul.u32 $0x140000, s9;
	s4 =	sor.u32 s0, s1  }
0x7: {  	s1 =	rddreg [dreg:$0x2];
	_ =	strace $0x8000004A;
	s30 =	sshrl.u32 s8, $0x1  }
0x8: {  	s5 =	smul.u32 $0x500, s4;
	s4 =	sadd.s32 $0x18000, s6;
	s18 =	ssub.s32 s8, s30  }
0x9: {  	s31 =	sshrl.u32 s10, $0x2;
	s13 =	sadd.s32 $0x4000, s12;
	s15 =	sadd.s32 $0x8000, s12  }
0xa: {  	s16 =	sadd.s32 $0xC000, s12;
	s20 =	sadd.s32 $0x10000, s12;
	s14 =	sadd.s32 s12, s19  }
0xb: {  	s8 =	sadd.s32 s31, s2;
	s9 =	sadd.s32 s13, s2;
	s10 =	sadd.s32 s15, s2  }
0xc: {  	s11 =	sadd.s32 s16, s2;
	s13 =	sadd.s32 s19, s13;
	s12 =	sadd.s32 s20, s2  }
0xd: {  	s14 =	sshrl.u32 s14, $0x3;
	s15 =	sadd.s32 s19, s15;
	s16 =	sadd.s32 s19, s16  }
0xe: {  	s19 =	sadd.s32 s19, s20;
	s18 =	smax.u32 s18, $0x1;
	s20 =	simm.s32 $0x2800  }
0xf: {  	s7 =	sadd.s32 s5, s6;
	s5 =	sadd.s32 $0xD400, s6;
	s21 =	sshrl.u32 s13, $0x3  }
0x10: {  	s13 =	sadd.s32 s17, s14;
	s15 =	sshrl.u32 s15, $0x3;
	s16 =	sshrl.u32 s16, $0x3  }
0x11: {  	s19 =	sshrl.u32 s19, $0x3;
	s6 =	sadd.s32 $0xE000, s7;
	s7 =	sadd.s32 $0x3400, s7  }
0x12: {  	s14 =	sadd.s32 s17, s21;
	s15 =	sadd.s32 s17, s15;
	s16 =	sadd.s32 s17, s16  }
0x13: {  	s17 =	sadd.s32 s17, s19;
	s19 =	simm.s32 $0x2;
	s21 =	simm.s32 $0x5000  }
.LBB2_1:
0x14: {  	[tilespmem:s3], [sflag:$0x2] =	stream.linear.gather [hbm4b:s6+s3], $0x2780, $0x38;
	[tilespmem:$0x1D000] =	vst v63  }
0x15: {  	_ =	swait.ge [sflag:s19], $0x2780  }
0x16: {  	[sflag:s19] =	ssyncset.done $0x0  }
0x17: {  	[sflag:s19] =	ssyncadd.s32 $0xFFFFD880  }
0x18: {  	[tilespmem:s20], [sflag:$0x2] =	stream.linear.gather [hbm4b:s7+s3], $0x2780, $0x38;
	[tilespmem:$0x1D000] =	vst v63  }
0x19: {  	_ =	swait.ge [sflag:s19], $0x2780  }
0x1a: {  	[sflag:s19] =	ssyncset.done $0x0  }
0x1b: {  	[sflag:s19] =	ssyncadd.s32 $0xFFFFD880  }
0x1c: {  	[tilespmem:s21], [sflag:$0x2] =	stream.linear.gather [hbm4b:s5+s3], $0x4000, $0x38;
	[tilespmem:$0x1D000] =	vst v63  }
0x1d: {  	_ =	swait.ge [sflag:s19], $0x4000  }
0x1e: {  	[sflag:s19] =	ssyncset.done $0x0  }
0x1f: {  	[sflag:s19] =	ssyncadd.s32 $0xFFFFC000  }
0x20: {  	[spmem:s8] =	stream.linear.scatter [tilespmem:s21], [sflag:$0x2], $0x4000, $0x38;
	[tilespmem:$0x1D000] =	vst v63  }
0x21: {  	_ =	swait.ge [sflag:s19], $0x4000  }
0x22: {  	[sflag:s19] =	ssyncset.done $0x0  }
0x23: {  	[sflag:s19] =	ssyncadd.s32 $0xFFFFC000  }
0x24: {  	[spmem:s9] =	stream.linear.scatter [tilespmem:s21], [sflag:$0x2], $0x4000, $0x38;
	[tilespmem:$0x1D000] =	vst v63  }
0x25: {  	_ =	swait.ge [sflag:s19], $0x4000  }
0x26: {  	[sflag:s19] =	ssyncset.done $0x0  }
0x27: {  	[sflag:s19] =	ssyncadd.s32 $0xFFFFC000  }
0x28: {  	[spmem:s10] =	stream.linear.scatter [tilespmem:s21], [sflag:$0x2], $0x4000, $0x38;
	[tilespmem:$0x1D000] =	vst v63  }
0x29: {  	_ =	swait.ge [sflag:s19], $0x4000  }
0x2a: {  	[sflag:s19] =	ssyncset.done $0x0  }
0x2b: {  	[sflag:s19] =	ssyncadd.s32 $0xFFFFC000  }
0x2c: {  	[spmem:s11] =	stream.linear.scatter [tilespmem:s21], [sflag:$0x2], $0x4000, $0x38;
	[tilespmem:$0x1D000] =	vst v63  }
0x2d: {  	_ =	swait.ge [sflag:s19], $0x4000  }
0x2e: {  	[sflag:s19] =	ssyncset.done $0x0  }
0x2f: {  	[sflag:s19] =	ssyncadd.s32 $0xFFFFC000  }
0x30: {  	[spmem:s12] =	stream.linear.scatter [tilespmem:s21], [sflag:$0x2], $0x4000, $0x38;
	[tilespmem:$0x1D000] =	vst v63  }
0x31: {  	_ =	swait.ge [sflag:s19], $0x4000  }
0x32: {  	[sflag:s19] =	ssyncset.done $0x0  }
0x33: {  	[sflag:s19] =	ssyncadd.s32 $0xFFFFC000  }
0x34: {  	s25 =	simm.s32 $0x0;
	[bflag:$0x0] =	sbarrier.arrive $0xFFFF  }
0x35: {  	[tilespmem:s21], [sflag:$0x1] =	stream.indirect.gather [hbm4b:s4+s22], $0x80, s25, s22, $0xb8;
	[tilespmem:$0x1D000] =	vst v63  }
0x36: {  	_ =	swait.ge [sflag:s23], $0x4000  }
0x37: {  	[sflag:s23] =	ssyncset.done $0x0  }
0x38: {  	s31 =	simm.s32 $0x2800;
	[sflag:s23] =	ssyncadd.s32 $0xFFFFC000  }
0x39: {  	[spmem:s2] =	stream.indirect.scatter.add.f32 [tilespmem:s21], [sflag:$0x2], $0x80, s31, s22, $0xb8;
	[tilespmem:$0x1D000] =	vst v63  }
0x3a: {  	_ =	swait.ge [sflag:s19], $0x4000  }
0x3b: {  	s26 =	simm.s32 $0x400;
	s25 =	simm.s32 $0x200;
	[sflag:s19] =	ssyncset.done $0x0  }
.LBB2_2:
0x3c: {  	s28 =	sshra.s32 s25, $0x2  }
0x3d: {  	[sflag:s19] =	ssyncadd.s32 $0xFFFFC000;
	s25 =	smov.u32 s26;
	s29 =	sadd.s32 $0x200, s26  }
0x3e: {  	[tilespmem:s21], [sflag:$0x1] =	stream.indirect.gather [hbm4b:s4+s22], $0x80, s28, s22, $0xb8;
	[tilespmem:$0x1D000] =	vst v63  }
0x3f: {  	p0 =	sne.s32 s26, $0x9C00;
	_ =	swait.ge [sflag:s23], $0x4000  }
.Ltmp0:
0x40: {  	[sflag:s23] =	ssyncset.done $0x0;
	(pc) =	sbr.rel @p0 .LBB2_2-.Ltmp0, $4  }
0x41: {  	s26 =	sadd.s32 $0x2800, s28;
	[sflag:s23] =	ssyncadd.s32 $0xFFFFC000  }
0x42: {  	[spmem:s2] =	stream.indirect.scatter.add.f32 [tilespmem:s21], [sflag:$0x2], $0x80, s26, s22, $0xb8;
	[tilespmem:$0x1D000] =	vst v63  }
0x43: {  	_ =	swait.ge [sflag:s19], $0x4000  }
0x44: {  	s26 =	smov.u32 s29;
	[sflag:s19] =	ssyncset.done $0x0  }
0x45: {  	s25 =	sshra.s32 s25, $0x2;
	[sflag:s19] =	ssyncadd.s32 $0xFFFFC000  }
0x46: {  	[tilespmem:s21], [sflag:$0x1] =	stream.indirect.gather [hbm4b:s4+s22], $0x80, s25, s22, $0xb8;
	[tilespmem:$0x1D000] =	vst v63  }
0x47: {  	_ =	swait.ge [sflag:s23], $0x4000  }
0x48: {  	[sflag:s23] =	ssyncset.done $0x0  }
0x49: {  	s25 =	sadd.s32 $0x2800, s25;
	[sflag:s23] =	ssyncadd.s32 $0xFFFFC000  }
0x4a: {  	[spmem:s2] =	stream.indirect.scatter.add.f32 [tilespmem:s21], [sflag:$0x2], $0x80, s25, s22, $0xb8;
	[tilespmem:$0x1D000] =	vst v63  }
0x4b: {  	_ =	swait.ge [sflag:s19], $0x4000  }
0x4c: {  	[sflag:s19] =	ssyncset.done $0x0  }
0x4d: {  	[sflag:s19] =	ssyncadd.s32 $0xFFFFC000  }
0x4e: {  	[bflag:$0x0] =	sbarrier.arrive $0xFFFF  }
0x4f: {  	[tilespmem:s21], [sflag:$0x2] =	stream.linear.gather [spmem:s8], $0x4000, $0x38;
	[tilespmem:$0x1D000] =	vst v63  }
0x50: {  	_ =	swait.ge [sflag:s19], $0x4000  }
0x51: {  	[sflag:s19] =	ssyncset.done $0x0  }
0x52: {  	[sflag:s19] =	ssyncadd.s32 $0xFFFFC000  }
0x53: {  	[hbm4b:s13+s3] =	stream.linear.scatter [tilespmem:s21], [sflag:$0x2], $0x4000, $0x38;
	[tilespmem:$0x1D000] =	vst v63  }
0x54: {  	_ =	swait.ge [sflag:s19], $0x4000  }
0x55: {  	[sflag:s19] =	ssyncset.done $0x0  }
0x56: {  	[sflag:s19] =	ssyncadd.s32 $0xFFFFC000  }
0x57: {  	[tilespmem:s21], [sflag:$0x2] =	stream.linear.gather [spmem:s9], $0x4000, $0x38;
	[tilespmem:$0x1D000] =	vst v63  }
0x58: {  	_ =	swait.ge [sflag:s19], $0x4000  }
0x59: {  	[sflag:s19] =	ssyncset.done $0x0  }
0x5a: {  	[sflag:s19] =	ssyncadd.s32 $0xFFFFC000  }
0x5b: {  	[hbm4b:s14+s3] =	stream.linear.scatter [tilespmem:s21], [sflag:$0x2], $0x4000, $0x38;
	[tilespmem:$0x1D000] =	vst v63  }
0x5c: {  	_ =	swait.ge [sflag:s19], $0x4000  }
0x5d: {  	[sflag:s19] =	ssyncset.done $0x0  }
0x5e: {  	[sflag:s19] =	ssyncadd.s32 $0xFFFFC000  }
0x5f: {  	[tilespmem:s21], [sflag:$0x2] =	stream.linear.gather [spmem:s10], $0x4000, $0x38;
	[tilespmem:$0x1D000] =	vst v63  }
0x60: {  	_ =	swait.ge [sflag:s19], $0x4000  }
0x61: {  	[sflag:s19] =	ssyncset.done $0x0  }
0x62: {  	[sflag:s19] =	ssyncadd.s32 $0xFFFFC000  }
0x63: {  	[hbm4b:s15+s3] =	stream.linear.scatter [tilespmem:s21], [sflag:$0x2], $0x4000, $0x38;
	[tilespmem:$0x1D000] =	vst v63  }
0x64: {  	_ =	swait.ge [sflag:s19], $0x4000  }
0x65: {  	[sflag:s19] =	ssyncset.done $0x0  }
0x66: {  	[sflag:s19] =	ssyncadd.s32 $0xFFFFC000  }
0x67: {  	[tilespmem:s21], [sflag:$0x2] =	stream.linear.gather [spmem:s11], $0x4000, $0x38;
	[tilespmem:$0x1D000] =	vst v63  }
0x68: {  	_ =	swait.ge [sflag:s19], $0x4000  }
0x69: {  	[sflag:s19] =	ssyncset.done $0x0  }
0x6a: {  	[sflag:s19] =	ssyncadd.s32 $0xFFFFC000  }
0x6b: {  	[hbm4b:s16+s3] =	stream.linear.scatter [tilespmem:s21], [sflag:$0x2], $0x4000, $0x38;
	[tilespmem:$0x1D000] =	vst v63  }
0x6c: {  	_ =	swait.ge [sflag:s19], $0x4000  }
0x6d: {  	[sflag:s19] =	ssyncset.done $0x0  }
0x6e: {  	[sflag:s19] =	ssyncadd.s32 $0xFFFFC000  }
0x6f: {  	[tilespmem:s21], [sflag:$0x2] =	stream.linear.gather [spmem:s12], $0x4000, $0x38;
	[tilespmem:$0x1D000] =	vst v63  }
0x70: {  	s24 =	sadd.s32 $0x1, s24;
	_ =	swait.ge [sflag:s19], $0x4000  }
0x71: {  	p0 =	sne.s32 s24, s18;
	[sflag:s19] =	ssyncset.done $0x0  }
.Ltmp1:
0x72: {  	[sflag:s19] =	ssyncadd.s32 $0xFFFFC000;
	(pc) =	sbr.rel @p0 .LBB2_1-.Ltmp1, $4  }
0x73: {  	[hbm4b:s17+s3] =	stream.linear.scatter [tilespmem:s21], [sflag:$0x2], $0x4000, $0x38;
	[tilespmem:$0x1D000] =	vst v63  }
0x74: {  	_ =	swait.ge [sflag:s19], $0x4000  }
0x75: {  	[sflag:s19] =	ssyncset.done $0x0  }
0x76: {  	[sflag:s19] =	ssyncadd.s32 $0xFFFFC000  }
0x77: {  	_ =	sfence.sel $0x180000  }
0x78: {  	[bflag:$0x0] =	sbarrier.arrive $0xFFFF  }
0x79: {  	p0 =	sne.s32 s0, $0x0;
	_ =	strace $0x9000004A  }
0x7a: {  	s0 =	sadd.s32 @!p0 $0x100000, s1;
	[bflag:$0x2] =	sbarrier.arrive $0xFFFF  }
0x7b: {  	[sflag:s0] =	ssyncadd.tile.s32 @!p0 $0x1;
	_ =	shalt  }
.Lfunc_end2:
_tile_overlayer_lowered:
.L_overlay_start_2:
0x7c: {  	(tag) =	ssettag $0x2  }
0x7d: {  	s0 =	rddreg [dreg:$0x0];
	s2 =	stileid.u32  }
0x7e: {  	s1 =	rddreg [dreg:$0x1];
	p0 =	sne.s32 s2, $0x0  }
0x7f: {  	s3 =	rddreg [dreg:$0x2];
	[bflag:$0x3] =	sbarrier.arrive $0xFFFF;
	s2 =	simm.s32 @!p0 $0x1C02  }
0x80: {  	[timem:s3], [sflag:s2] =	dma.local @!p0 [hbm:s0], s1  }
0x81: {  	s0 =	simm.s32 @!p0 $0x2  }
0x82: {  	_ =	swait.ge @!p0 [sflag:s0], s1  }
0x83: {  	s1 =	ssub.s32 @!p0 $0x0, s1;
	[sflag:s0] =	ssyncset.done @!p0 $0x0  }
0x84: {  	[sflag:s0] =	ssyncadd.s32 @!p0 s1  }
0x85: {  	[bflag:$0x3] =	sbarrier.arrive $0xFFFF  }
0x86: {  	_ =	shalt  }

// kernel: kernel.14.cloned.1.call-start
scs
__scs_entry_jumppad:
0x0: {  	(pc) =	sbr.rel $0x88, $3  }
0x1: {  	(tag) =	ssettag $0x0;
	lr =	simm.s32 $0x1  }
0x2: {  	[smem:$0x3F97] =	sst lr;
	_ =	strace $0xD0000000  }
0x3: {  	_ = 	snop  }
0x4: {  	_ = 	snop  }
0x5: {  	_ = 	snop  }
0x6: {  	_ = 	snop  }
0x7: {  	_ = 	snop  }
__scs_overlays_trampoline_lowered:
0x8: {  	[smem:$0x3FA6] =	sst s0  }
0x9: {  	[smem:$0x3FA7] =	sst s1  }
0xa: {  	[smem:$0x3FA8] =	sst s2  }
0xb: {  	[smem:$0x3FA9] =	sst s3  }
0xc: {  	[smem:$0x3FAA] =	sst s4  }
0xd: {  	[smem:$0x3FAB] =	sst s5  }
0xe: {  	[smem:$0x3FAC] =	sst s6  }
0xf: {  	[smem:$0x3FAD] =	sst s7  }
0x10: {  	[smem:$0x3FAE] =	sst s8  }
0x11: {  	[smem:$0x3FAF] =	sst s9;
	s0 =	simm.s32 @!p0 $0x0  }
0x12: {  	s1 =	sld [smem:$0x3F95];
	s0 =	simm.s32 @p0 $0x1  }
0x13: {  	[smem:$0x3FB0] =	sst s0;
	s0 =	simm.s32 @!p1 $0x0  }
0x14: {  	s2 =	sld [smem:$0x3F94];
	s0 =	simm.s32 @p1 $0x1  }
0x15: {  	[smem:$0x3FB1] =	sst s0;
	s0 =	simm.s32 @!p2 $0x0  }
0x16: {  	s3 =	sld [smem:$0x3FDB];
	s0 =	simm.s32 @p2 $0x1  }
0x17: {  	s4 =	simm.s32 $0x1BF5;
	[smem:$0x3FB3] =	sst s0  }
0x18: {  	s0 =	sld [smem:$0x3F96];
	_ =	swait.ge [sflag:s4], $0x0  }
0x19: {  	s7 =	sld [smem:$0x3F97]  }
0x1a: {  	s8 =	sadd.s32 $0xFFFFE003, lr  }
0x1b: {  	s9 =	sadd.s32 $0xFFFFFEF7, lr;
	s5 =	simm.s32 $0xFFFFFFFF;
	p2 =	slt.u32 s8, $0xFFFFF086  }
0x1c: {  	p1 =	slt.u32 s9, $0xF7A;
	s5 =	simm.s32 @!p2 $0x0  }
0x1d: {  	s5 =	simm.s32 @p1 $0x1;
	p0 =	seq.s32 s7, s2  }
0x1e: {  	s7 =	smul.u32 @!p0 $0xF7A, s2;
	p2 =	seq.s32 @!p0 s5, $0x0  }
0x1f: {  	s9 =	smul.u32 $0xF7A, s1;
	s8 =	simm.s32 @!p0 $0x1BF5;
	p2 =	por !p2, p0  }
0x20: {  	[sflag:s8] =	ssyncset.s32 @!p0 $0xFFFFF086;
	s6 =	sadd.s32 @!p0 s3, s7;
	s7 =	simm.s32 @!p0 $0x108  }
0x21: {  	s3 =	sadd.s32 s3, s9;
	s6 =	sadd.s32 @!p0 $0x88, s6;
	s7 =	simm.s32 @p2 $0x1082  }
0x22: {  	[simem:s7], [sflag:s8] =	dma.local @!p0 [hbm:s6], $0xF7A  }
0x23: {  	s9 =	sor.u32 $0xD0000000, s2;
	s6 =	simm.s32 $0x108;
	_ =	swait.ge @!p0 [sflag:s8], $0x0  }
0x24: {  	s3 =	sadd.s32 $0x88, s3;
	s6 =	simm.s32 @!p1 $0x1082;
	[sflag:s4] =	ssyncset.s32 $0xFFFFF086  }
0x25: {  	[simem:s6], [sflag:s4] =	dma.local [hbm:s3], $0xF7A  }
0x26: {  	[smem:$0x3F97] =	sst s1;
	(tag) =	ssettag s2;
	_ =	strace s9  }
0x27: {  	s1 =	sld [smem:$0x3FA7]  }
0x28: {  	s2 =	sld [smem:$0x3FA8]  }
0x29: {  	s4 =	sld [smem:$0x3FAA]  }
0x2a: {  	p0 =	seq.s32 s5, $0x0;
	s5 =	sld [smem:$0x3FAB]  }
0x2b: {  	s6 =	sld [smem:$0x3FAC]  }
0x2c: {  	s7 =	sld [smem:$0x3FAD]  }
0x2d: {  	s3 =	simm.s32 $0x108;
	s8 =	sld [smem:$0x3FAE]  }
0x2e: {  	s3 =	simm.s32 @!p0 $0x1082;
	s9 =	sld [smem:$0x3FAF]  }
0x2f: {  	lr =	sadd.s32 s0, s3;
	s0 =	sld [smem:$0x3FA6]  }
0x30: {  	s3 =	sld [smem:$0x3FA9]  }
0x31: {  	[smem:$0x3FB2] =	sst s10  }
0x32: {  	s10 =	sld [smem:$0x3FB0];
	_ =	sdelay $0x3  }
0x33: {  	p0 =	seq.s32 s10, $0x1;
	s10 =	sld [smem:$0x3FB2];
	_ =	sdelay $0x3  }
0x34: {  	[smem:$0x3FB2] =	sst s10  }
0x35: {  	s10 =	sld [smem:$0x3FB1];
	_ =	sdelay $0x3  }
0x36: {  	p1 =	seq.s32 s10, $0x1;
	s10 =	sld [smem:$0x3FB2];
	_ =	sdelay $0x3  }
0x37: {  	[smem:$0x3FB2] =	sst s10  }
0x38: {  	s10 =	sld [smem:$0x3FB3]  }
0x39: {  	_ = 	snop;
	(pc) =	sbr.ind lr, $3  }
0x3a: {  	_ = 	snop  }
0x3b: {  	_ = 	snop  }
0x3c: {  	p2 =	seq.s32 s10, $0x1;
	s10 =	sld [smem:$0x3FB2]  }
0x3d: {  	_ =	shalt  }
0x3e: {  	_ =	shalt  }
0x3f: {  	_ =	shalt  }
0x40: {  	_ =	shalt  }
0x41: {  	_ =	shalt  }
0x42: {  	_ =	shalt  }
0x43: {  	_ =	shalt  }
0x44: {  	_ =	shalt  }
0x45: {  	_ =	shalt  }
0x46: {  	_ =	shalt  }
0x47: {  	_ =	shalt  }
0x48: {  	_ =	shalt  }
0x49: {  	_ =	shalt  }
0x4a: {  	_ =	shalt  }
0x4b: {  	_ =	shalt  }
0x4c: {  	_ =	shalt  }
0x4d: {  	_ =	shalt  }
0x4e: {  	_ =	shalt  }
0x4f: {  	_ =	shalt  }
0x50: {  	_ =	shalt  }
0x51: {  	_ =	shalt  }
0x52: {  	_ =	shalt  }
0x53: {  	_ =	shalt  }
0x54: {  	_ =	shalt  }
0x55: {  	_ =	shalt  }
0x56: {  	_ =	shalt  }
0x57: {  	_ =	shalt  }
0x58: {  	_ =	shalt  }
0x59: {  	_ =	shalt  }
0x5a: {  	_ =	shalt  }
0x5b: {  	_ =	shalt  }
0x5c: {  	_ =	shalt  }
0x5d: {  	_ =	shalt  }
0x5e: {  	_ =	shalt  }
0x5f: {  	_ =	shalt  }
0x60: {  	_ =	shalt  }
0x61: {  	_ =	shalt  }
0x62: {  	_ =	shalt  }
0x63: {  	_ =	shalt  }
0x64: {  	_ =	shalt  }
0x65: {  	_ =	shalt  }
0x66: {  	_ =	shalt  }
0x67: {  	_ =	shalt  }
0x68: {  	_ =	shalt  }
0x69: {  	_ =	shalt  }
0x6a: {  	_ =	shalt  }
0x6b: {  	_ =	shalt  }
0x6c: {  	_ =	shalt  }
0x6d: {  	_ =	shalt  }
0x6e: {  	_ =	shalt  }
0x6f: {  	_ =	shalt  }
0x70: {  	_ =	shalt  }
0x71: {  	_ =	shalt  }
0x72: {  	_ =	shalt  }
0x73: {  	_ =	shalt  }
0x74: {  	_ =	shalt  }
0x75: {  	_ =	shalt  }
0x76: {  	_ =	shalt  }
0x77: {  	_ =	shalt  }
0x78: {  	_ =	shalt  }
0x79: {  	_ =	shalt  }
0x7a: {  	_ =	shalt  }
0x7b: {  	_ =	shalt  }
0x7c: {  	_ =	shalt  }
0x7d: {  	_ =	shalt  }
0x7e: {  	_ =	shalt  }
0x7f: {  	_ =	shalt  }
0x80: {  	_ =	shalt  }
0x81: {  	_ =	shalt  }
0x82: {  	_ =	shalt  }
0x83: {  	_ =	shalt  }
0x84: {  	_ =	shalt  }
0x85: {  	_ =	shalt  }
0x86: {  	_ =	shalt  }
0x87: {  	_ =	shalt  }
.Lfunc_end0:
.L_simem_size_0:
called_computation.2_lowered:
.L_overlay_start_0:
0x88: {  	s2 =	sld [smem:$0x3FD9]  }
0x89: {  	s3 =	sld [smem:$0x3FFE];
	_ =	sdelay $0x1  }
0x8a: {  	s1 =	srdreg.scid  }
0x8b: {  	s0 =	sand.u32 $0x1, s1  }
0x8c: {  	s16 =	sshll.u32 s0, $0xA;
	s2 =	sadd.s32 s3, s2  }
0x8d: {  	s2 =	sadd.s32 s2, s16  }
0x8e: {  	[smem:$0x3FBE] =	sst s2  }
0x8f: {  	_ = 	snop  }
0x90: {  	(tm) =	ssettm $0x1  }
0x91: {  	s17 =	sld [smem:$0x3FFB];
	_ =	sdelay $0x3  }
0x92: {  	_ =	strace s17  }
0x93: {  	s2 =	sld [smem:$0x3FFC];
	_ =	sdelay $0x3  }
0x94: {  	_ =	strace s2  }
0x95: {  	s2 =	sld [smem:$0x3FFD];
	_ =	sdelay $0x3  }
0x96: {  	_ =	strace s2  }
0x97: {  	_ =	strace $0x8FFFFFFF  }
0x98: {  	s18 =	sld [smem:$0x3FDB];
	_ =	sdelay $0x1  }
0x99: {  	s19 =	simm.s32 $_scs_section_size  }
0x9a: {  	s4 =	simm.s32 $_size__tile_overlayer_lowered;
	s5 =	simm.s32 $_tile_overlayer_lowered  }
0x9b: {  	s22 =	simm.s32 $0x1BFF;
	s21 =	sshll.u32 s5, $0x1;
	s2 =	sadd.s32 s19, s18  }
0x9c: {  	s6 =	simm.s32 $0x0;
	s20 =	sshll.u32 s4, $0x1;
	s4 =	sadd.s32 s21, s2  }
0x9d: {  	[timem:s6], [sflag:s22] =	dma.local [hbm:s4], s20  }
0x9e: {  	_ =	swait.ge [sflag:s22], s20  }
0x9f: {  	s3 =	ssub.s32 $0x0, s20;
	[sflag:s22] =	ssyncset.done $0x0  }
0xa0: {  	[sflag:s22] =	ssyncadd.s32 s3;
	_ =	sdelay $0x1  }
0xa1: {  	s23 =	simm.s32 $0x1B8B  }
0xa2: {  	_ =	swait.ge [sflag:s23], $0x1  }
0xa3: {  	[sflag:s23] =	ssyncset.done $0x0  }
0xa4: {  	s25 =	simm.s32 $0x1B8E;
	s24 =	sld [smem:$0x3FFE];
	[sflag:s23] =	ssyncadd.s32 $0xFFFFFFFF  }
0xa5: {  	s26 =	simm.s32 $execute0_lowered;
	[smem:$0x3FD2] =	sst s25  }
0xa6: {  	s4 =	sshll.u32 s26, $0x1;
	_ =	strace $0x8000004C;
	[dreg:$0x1] =	wrdreg $0xFFFFFFFF  }
0xa7: {  	s28 =	simm.s32 $_size_execute0_lowered;
	s2 =	sadd.s32 s2, s4;
	[dreg:$0x0] =	wrdreg $0x0  }
0xa8: {  	s4 =	sshll.u32 s28, $0x1;
	[dreg:$0x2] =	wrdreg s2  }
0xa9: {  	[dreg:$0x3] =	wrdreg s4  }
0xaa: {  	[dreg:$0x4] =	wrdreg $0xC0  }
0xab: {  	_ =	task [dreg:s6], $0x5FFFF  }
0xac: {  	[dreg:$0x1] =	wrdreg $0xFFFFFFFF  }
0xad: {  	[dreg:$0x0] =	wrdreg $0x60  }
0xae: {  	[dreg:$0x2] =	wrdreg s24  }
0xaf: {  	[dreg:$0x3] =	wrdreg $0x90000  }
0xb0: {  	[dreg:$0x4] =	wrdreg $0x9  }
0xb1: {  	_ =	task.clear_ibuf [dreg:s6], $0x5FFFF;
	_ =	strace $0x9000004C  }
0xb2: {  	s29 =	simm.s32 $0x9;
	_ =	strace $0x8000004E  }
0xb3: {  	_ =	swait.ge [sflag:s29], $0x1  }
0xb4: {  	[sflag:s29] =	ssyncadd.s32 $0xFFFFFFFF  }
0xb5: {  	_ =	strace $0x9000004E  }
0xb6: {  	_ =	sfence  }
0xb7: {  	s30 =	sld [smem:$0x0];
	_ =	sdelay $0x2  }
0xb8: {  	s31 =	sshll.u32 s1, $0xD;
	s1 =	sshrl.u32 s1, $0x2  }
0xb9: {  	s3 =	sand.u32 $0x4000, s31;
	s1 =	sadd.s32 s1, s30  }
0xba: {  	s0 =	sor.u32 s3, s0;
	s1 =	sshll.u32 s1, $0x11  }
0xbb: {  	s0 =	sor.u32 s1, s0  }
0xbc: {  	s0 =	sadd.s32 $0x8F2B, s0  }
0xbd: {  	[sflag:s0] =	ssyncadd.remote.s32 $0x1  }
0xbe: {  	_ =	sfence.sel $0xFFFF  }
0xbf: {  	[dreg:$0x0] =	wrdreg $0xFFFFFFFF;
	(pc) =	sbr.abs _section_cstart, $3  }
0xc0: {  	[dreg:$0x1] =	wrdreg $0xFFFFFFFF  }
0xc1: {  	_ =	task.clear_ibuf [dreg:s6], $0x2FFFF;
	_ =	strace $0x9FFFFFFF  }
0xc2: {  	(tm) =	ssettm $0x7FFFFFFF  }
0xc3: {  	_ =	shalt  }
tec
execute0_lowered:
.L_overlay_start_1:
0x0: {  	(tag) =	ssettag $0x1  }
0x1: {  	s0 =	srdreg.scid;
	s6 =	rddreg [dreg:$0x0]  }
0x2: {  	s2 =	rddreg [dreg:$0x1];
	s3 =	simm.s32 $0x0;
	s22 =	simm.s32 $0x80  }
0x3: {  	s23 =	simm.s32 $0x1;
	s9 =	sand.u32 $0x1, s0;
	s0 =	stileid.u32  }
0x4: {  	s24 =	simm.s32 $0x0;
	[smem:$0x7FF] =	sst s3;
	s10 =	smul.u32 $0x50000, s0  }
0x5: {  	s17 =	sadd.s32 $0x40000, s6;
	s1 =	sshll.u32 s9, $0x4;
	s12 =	smul.u32 $0x14000, s0  }
0x6: {  	s8 =	ssub.s32 $0x2, s9;
	s19 =	smul.u32 $0x140000, s9;
	s4 =	sor.u32 s0, s1  }
0x7: {  	s1 =	rddreg [dreg:$0x2];
	_ =	strace $0x8000004D;
	s30 =	sshrl.u32 s8, $0x1  }
0x8: {  	s5 =	smul.u32 $0x500, s4;
	s4 =	sadd.s32 $0x18000, s6;
	s18 =	ssub.s32 s8, s30  }
0x9: {  	s31 =	sshrl.u32 s10, $0x2;
	s13 =	sadd.s32 $0x4000, s12;
	s15 =	sadd.s32 $0x8000, s12  }
0xa: {  	s16 =	sadd.s32 $0xC000, s12;
	s20 =	sadd.s32 $0x10000, s12;
	s14 =	sadd.s32 s12, s19  }
0xb: {  	s8 =	sadd.s32 s31, s2;
	s9 =	sadd.s32 s13, s2;
	s10 =	sadd.s32 s15, s2  }
0xc: {  	s11 =	sadd.s32 s16, s2;
	s13 =	sadd.s32 s19, s13;
	s12 =	sadd.s32 s20, s2  }
0xd: {  	s14 =	sshrl.u32 s14, $0x3;
	s15 =	sadd.s32 s19, s15;
	s16 =	sadd.s32 s19, s16  }
0xe: {  	s19 =	sadd.s32 s19, s20;
	s18 =	smax.u32 s18, $0x1;
	s20 =	simm.s32 $0x2800  }
0xf: {  	s7 =	sadd.s32 s5, s6;
	s5 =	sadd.s32 $0xD400, s6;
	s21 =	sshrl.u32 s13, $0x3  }
0x10: {  	s13 =	sadd.s32 s17, s14;
	s15 =	sshrl.u32 s15, $0x3;
	s16 =	sshrl.u32 s16, $0x3  }
0x11: {  	s19 =	sshrl.u32 s19, $0x3;
	s6 =	sadd.s32 $0xE000, s7;
	s7 =	sadd.s32 $0x3400, s7  }
0x12: {  	s14 =	sadd.s32 s17, s21;
	s15 =	sadd.s32 s17, s15;
	s16 =	sadd.s32 s17, s16  }
0x13: {  	s17 =	sadd.s32 s17, s19;
	s19 =	simm.s32 $0x2;
	s21 =	simm.s32 $0x5000  }
.LBB2_1:
0x14: {  	[tilespmem:s3], [sflag:$0x2] =	stream.linear.gather [hbm4b:s6+s3], $0x2780, $0x38;
	[tilespmem:$0x1D000] =	vst v63  }
0x15: {  	_ =	swait.ge [sflag:s19], $0x2780  }
0x16: {  	[sflag:s19] =	ssyncset.done $0x0  }
0x17: {  	[sflag:s19] =	ssyncadd.s32 $0xFFFFD880  }
0x18: {  	[tilespmem:s20], [sflag:$0x2] =	stream.linear.gather [hbm4b:s7+s3], $0x2780, $0x38;
	[tilespmem:$0x1D000] =	vst v63  }
0x19: {  	_ =	swait.ge [sflag:s19], $0x2780  }
0x1a: {  	[sflag:s19] =	ssyncset.done $0x0  }
0x1b: {  	[sflag:s19] =	ssyncadd.s32 $0xFFFFD880  }
0x1c: {  	[tilespmem:s21], [sflag:$0x2] =	stream.linear.gather [hbm4b:s5+s3], $0x4000, $0x38;
	[tilespmem:$0x1D000] =	vst v63  }
0x1d: {  	_ =	swait.ge [sflag:s19], $0x4000  }
0x1e: {  	[sflag:s19] =	ssyncset.done $0x0  }
0x1f: {  	[sflag:s19] =	ssyncadd.s32 $0xFFFFC000  }
0x20: {  	[spmem:s8] =	stream.linear.scatter [tilespmem:s21], [sflag:$0x2], $0x4000, $0x38;
	[tilespmem:$0x1D000] =	vst v63  }
0x21: {  	_ =	swait.ge [sflag:s19], $0x4000  }
0x22: {  	[sflag:s19] =	ssyncset.done $0x0  }
0x23: {  	[sflag:s19] =	ssyncadd.s32 $0xFFFFC000  }
0x24: {  	[spmem:s9] =	stream.linear.scatter [tilespmem:s21], [sflag:$0x2], $0x4000, $0x38;
	[tilespmem:$0x1D000] =	vst v63  }
0x25: {  	_ =	swait.ge [sflag:s19], $0x4000  }
0x26: {  	[sflag:s19] =	ssyncset.done $0x0  }
0x27: {  	[sflag:s19] =	ssyncadd.s32 $0xFFFFC000  }
0x28: {  	[spmem:s10] =	stream.linear.scatter [tilespmem:s21], [sflag:$0x2], $0x4000, $0x38;
	[tilespmem:$0x1D000] =	vst v63  }
0x29: {  	_ =	swait.ge [sflag:s19], $0x4000  }
0x2a: {  	[sflag:s19] =	ssyncset.done $0x0  }
0x2b: {  	[sflag:s19] =	ssyncadd.s32 $0xFFFFC000  }
0x2c: {  	[spmem:s11] =	stream.linear.scatter [tilespmem:s21], [sflag:$0x2], $0x4000, $0x38;
	[tilespmem:$0x1D000] =	vst v63  }
0x2d: {  	_ =	swait.ge [sflag:s19], $0x4000  }
0x2e: {  	[sflag:s19] =	ssyncset.done $0x0  }
0x2f: {  	[sflag:s19] =	ssyncadd.s32 $0xFFFFC000  }
0x30: {  	[spmem:s12] =	stream.linear.scatter [tilespmem:s21], [sflag:$0x2], $0x4000, $0x38;
	[tilespmem:$0x1D000] =	vst v63  }
0x31: {  	_ =	swait.ge [sflag:s19], $0x4000  }
0x32: {  	[sflag:s19] =	ssyncset.done $0x0  }
0x33: {  	[sflag:s19] =	ssyncadd.s32 $0xFFFFC000  }
0x34: {  	s25 =	simm.s32 $0x0;
	[bflag:$0x0] =	sbarrier.arrive $0xFFFF  }
0x35: {  	[tilespmem:s21], [sflag:$0x1] =	stream.indirect.gather [hbm4b:s4+s22], $0x80, s25, s22, $0xb8;
	[tilespmem:$0x1D000] =	vst v63  }
0x36: {  	_ =	swait.ge [sflag:s23], $0x4000  }
0x37: {  	[sflag:s23] =	ssyncset.done $0x0  }
0x38: {  	s31 =	simm.s32 $0x2800;
	[sflag:s23] =	ssyncadd.s32 $0xFFFFC000  }
0x39: {  	[spmem:s2] =	stream.indirect.scatter.add.f32 [tilespmem:s21], [sflag:$0x2], $0x80, s31, s22, $0xb8;
	[tilespmem:$0x1D000] =	vst v63  }
0x3a: {  	_ =	swait.ge [sflag:s19], $0x4000  }
0x3b: {  	s26 =	simm.s32 $0x400;
	s25 =	simm.s32 $0x200;
	[sflag:s19] =	ssyncset.done $0x0  }
.LBB2_2:
0x3c: {  	s28 =	sshra.s32 s25, $0x2  }
0x3d: {  	[sflag:s19] =	ssyncadd.s32 $0xFFFFC000;
	s25 =	smov.u32 s26;
	s29 =	sadd.s32 $0x200, s26  }
0x3e: {  	[tilespmem:s21], [sflag:$0x1] =	stream.indirect.gather [hbm4b:s4+s22], $0x80, s28, s22, $0xb8;
	[tilespmem:$0x1D000] =	vst v63  }
0x3f: {  	p0 =	sne.s32 s26, $0x9C00;
	_ =	swait.ge [sflag:s23], $0x4000  }
.Ltmp0:
0x40: {  	[sflag:s23] =	ssyncset.done $0x0;
	(pc) =	sbr.rel @p0 .LBB2_2-.Ltmp0, $4  }
0x41: {  	s26 =	sadd.s32 $0x2800, s28;
	[sflag:s23] =	ssyncadd.s32 $0xFFFFC000  }
0x42: {  	[spmem:s2] =	stream.indirect.scatter.add.f32 [tilespmem:s21], [sflag:$0x2], $0x80, s26, s22, $0xb8;
	[tilespmem:$0x1D000] =	vst v63  }
0x43: {  	_ =	swait.ge [sflag:s19], $0x4000  }
0x44: {  	s26 =	smov.u32 s29;
	[sflag:s19] =	ssyncset.done $0x0  }
0x45: {  	s25 =	sshra.s32 s25, $0x2;
	[sflag:s19] =	ssyncadd.s32 $0xFFFFC000  }
0x46: {  	[tilespmem:s21], [sflag:$0x1] =	stream.indirect.gather [hbm4b:s4+s22], $0x80, s25, s22, $0xb8;
	[tilespmem:$0x1D000] =	vst v63  }
0x47: {  	_ =	swait.ge [sflag:s23], $0x4000  }
0x48: {  	[sflag:s23] =	ssyncset.done $0x0  }
0x49: {  	s25 =	sadd.s32 $0x2800, s25;
	[sflag:s23] =	ssyncadd.s32 $0xFFFFC000  }
0x4a: {  	[spmem:s2] =	stream.indirect.scatter.add.f32 [tilespmem:s21], [sflag:$0x2], $0x80, s25, s22, $0xb8;
	[tilespmem:$0x1D000] =	vst v63  }
0x4b: {  	_ =	swait.ge [sflag:s19], $0x4000  }
0x4c: {  	[sflag:s19] =	ssyncset.done $0x0  }
0x4d: {  	[sflag:s19] =	ssyncadd.s32 $0xFFFFC000  }
0x4e: {  	[bflag:$0x0] =	sbarrier.arrive $0xFFFF  }
0x4f: {  	[tilespmem:s21], [sflag:$0x2] =	stream.linear.gather [spmem:s8], $0x4000, $0x38;
	[tilespmem:$0x1D000] =	vst v63  }
0x50: {  	_ =	swait.ge [sflag:s19], $0x4000  }
0x51: {  	[sflag:s19] =	ssyncset.done $0x0  }
0x52: {  	[sflag:s19] =	ssyncadd.s32 $0xFFFFC000  }
0x53: {  	[hbm4b:s13+s3] =	stream.linear.scatter [tilespmem:s21], [sflag:$0x2], $0x4000, $0x38;
	[tilespmem:$0x1D000] =	vst v63  }
0x54: {  	_ =	swait.ge [sflag:s19], $0x4000  }
0x55: {  	[sflag:s19] =	ssyncset.done $0x0  }
0x56: {  	[sflag:s19] =	ssyncadd.s32 $0xFFFFC000  }
0x57: {  	[tilespmem:s21], [sflag:$0x2] =	stream.linear.gather [spmem:s9], $0x4000, $0x38;
	[tilespmem:$0x1D000] =	vst v63  }
0x58: {  	_ =	swait.ge [sflag:s19], $0x4000  }
0x59: {  	[sflag:s19] =	ssyncset.done $0x0  }
0x5a: {  	[sflag:s19] =	ssyncadd.s32 $0xFFFFC000  }
0x5b: {  	[hbm4b:s14+s3] =	stream.linear.scatter [tilespmem:s21], [sflag:$0x2], $0x4000, $0x38;
	[tilespmem:$0x1D000] =	vst v63  }
0x5c: {  	_ =	swait.ge [sflag:s19], $0x4000  }
0x5d: {  	[sflag:s19] =	ssyncset.done $0x0  }
0x5e: {  	[sflag:s19] =	ssyncadd.s32 $0xFFFFC000  }
0x5f: {  	[tilespmem:s21], [sflag:$0x2] =	stream.linear.gather [spmem:s10], $0x4000, $0x38;
	[tilespmem:$0x1D000] =	vst v63  }
0x60: {  	_ =	swait.ge [sflag:s19], $0x4000  }
0x61: {  	[sflag:s19] =	ssyncset.done $0x0  }
0x62: {  	[sflag:s19] =	ssyncadd.s32 $0xFFFFC000  }
0x63: {  	[hbm4b:s15+s3] =	stream.linear.scatter [tilespmem:s21], [sflag:$0x2], $0x4000, $0x38;
	[tilespmem:$0x1D000] =	vst v63  }
0x64: {  	_ =	swait.ge [sflag:s19], $0x4000  }
0x65: {  	[sflag:s19] =	ssyncset.done $0x0  }
0x66: {  	[sflag:s19] =	ssyncadd.s32 $0xFFFFC000  }
0x67: {  	[tilespmem:s21], [sflag:$0x2] =	stream.linear.gather [spmem:s11], $0x4000, $0x38;
	[tilespmem:$0x1D000] =	vst v63  }
0x68: {  	_ =	swait.ge [sflag:s19], $0x4000  }
0x69: {  	[sflag:s19] =	ssyncset.done $0x0  }
0x6a: {  	[sflag:s19] =	ssyncadd.s32 $0xFFFFC000  }
0x6b: {  	[hbm4b:s16+s3] =	stream.linear.scatter [tilespmem:s21], [sflag:$0x2], $0x4000, $0x38;
	[tilespmem:$0x1D000] =	vst v63  }
0x6c: {  	_ =	swait.ge [sflag:s19], $0x4000  }
0x6d: {  	[sflag:s19] =	ssyncset.done $0x0  }
0x6e: {  	[sflag:s19] =	ssyncadd.s32 $0xFFFFC000  }
0x6f: {  	[tilespmem:s21], [sflag:$0x2] =	stream.linear.gather [spmem:s12], $0x4000, $0x38;
	[tilespmem:$0x1D000] =	vst v63  }
0x70: {  	s24 =	sadd.s32 $0x1, s24;
	_ =	swait.ge [sflag:s19], $0x4000  }
0x71: {  	p0 =	sne.s32 s24, s18;
	[sflag:s19] =	ssyncset.done $0x0  }
.Ltmp1:
0x72: {  	[sflag:s19] =	ssyncadd.s32 $0xFFFFC000;
	(pc) =	sbr.rel @p0 .LBB2_1-.Ltmp1, $4  }
0x73: {  	[hbm4b:s17+s3] =	stream.linear.scatter [tilespmem:s21], [sflag:$0x2], $0x4000, $0x38;
	[tilespmem:$0x1D000] =	vst v63  }
0x74: {  	_ =	swait.ge [sflag:s19], $0x4000  }
0x75: {  	[sflag:s19] =	ssyncset.done $0x0  }
0x76: {  	[sflag:s19] =	ssyncadd.s32 $0xFFFFC000  }
0x77: {  	_ =	sfence.sel $0x180000  }
0x78: {  	[bflag:$0x0] =	sbarrier.arrive $0xFFFF  }
0x79: {  	p0 =	sne.s32 s0, $0x0;
	_ =	strace $0x9000004D  }
0x7a: {  	s0 =	sadd.s32 @!p0 $0x100000, s1;
	[bflag:$0x2] =	sbarrier.arrive $0xFFFF  }
0x7b: {  	[sflag:s0] =	ssyncadd.tile.s32 @!p0 $0x1;
	_ =	shalt  }
.Lfunc_end2:
_tile_overlayer_lowered:
.L_overlay_start_2:
0x7c: {  	(tag) =	ssettag $0x2  }
0x7d: {  	s0 =	rddreg [dreg:$0x0];
	s2 =	stileid.u32  }
0x7e: {  	s1 =	rddreg [dreg:$0x1];
	p0 =	sne.s32 s2, $0x0  }
0x7f: {  	s3 =	rddreg [dreg:$0x2];
	[bflag:$0x3] =	sbarrier.arrive $0xFFFF;
	s2 =	simm.s32 @!p0 $0x1C02  }
0x80: {  	[timem:s3], [sflag:s2] =	dma.local @!p0 [hbm:s0], s1  }
0x81: {  	s0 =	simm.s32 @!p0 $0x2  }
0x82: {  	_ =	swait.ge @!p0 [sflag:s0], s1  }
0x83: {  	s1 =	ssub.s32 @!p0 $0x0, s1;
	[sflag:s0] =	ssyncset.done @!p0 $0x0  }
0x84: {  	[sflag:s0] =	ssyncadd.s32 @!p0 s1  }
0x85: {  	[bflag:$0x3] =	sbarrier.arrive $0xFFFF  }
0x86: {  	_ =	shalt  }

// kernel: kernel.8.cloned.1.call-start
scs
__scs_entry_jumppad:
0x0: {  	(pc) =	sbr.rel $0x88, $3  }
0x1: {  	(tag) =	ssettag $0x0;
	lr =	simm.s32 $0x1  }
0x2: {  	[smem:$0x3F97] =	sst lr;
	_ =	strace $0xD0000000  }
0x3: {  	_ = 	snop  }
0x4: {  	_ = 	snop  }
0x5: {  	_ = 	snop  }
0x6: {  	_ = 	snop  }
0x7: {  	_ = 	snop  }
__scs_overlays_trampoline_lowered:
0x8: {  	[smem:$0x3FA6] =	sst s0  }
0x9: {  	[smem:$0x3FA7] =	sst s1  }
0xa: {  	[smem:$0x3FA8] =	sst s2  }
0xb: {  	[smem:$0x3FA9] =	sst s3  }
0xc: {  	[smem:$0x3FAA] =	sst s4  }
0xd: {  	[smem:$0x3FAB] =	sst s5  }
0xe: {  	[smem:$0x3FAC] =	sst s6  }
0xf: {  	[smem:$0x3FAD] =	sst s7  }
0x10: {  	[smem:$0x3FAE] =	sst s8  }
0x11: {  	[smem:$0x3FAF] =	sst s9;
	s0 =	simm.s32 @!p0 $0x0  }
0x12: {  	s1 =	sld [smem:$0x3F95];
	s0 =	simm.s32 @p0 $0x1  }
0x13: {  	[smem:$0x3FB0] =	sst s0;
	s0 =	simm.s32 @!p1 $0x0  }
0x14: {  	s2 =	sld [smem:$0x3F94];
	s0 =	simm.s32 @p1 $0x1  }
0x15: {  	[smem:$0x3FB1] =	sst s0;
	s0 =	simm.s32 @!p2 $0x0  }
0x16: {  	s3 =	sld [smem:$0x3FDB];
	s0 =	simm.s32 @p2 $0x1  }
0x17: {  	s4 =	simm.s32 $0x1BF5;
	[smem:$0x3FB3] =	sst s0  }
0x18: {  	s0 =	sld [smem:$0x3F96];
	_ =	swait.ge [sflag:s4], $0x0  }
0x19: {  	s7 =	sld [smem:$0x3F97]  }
0x1a: {  	s8 =	sadd.s32 $0xFFFFE003, lr  }
0x1b: {  	s9 =	sadd.s32 $0xFFFFFEF7, lr;
	s5 =	simm.s32 $0xFFFFFFFF;
	p2 =	slt.u32 s8, $0xFFFFF086  }
0x1c: {  	p1 =	slt.u32 s9, $0xF7A;
	s5 =	simm.s32 @!p2 $0x0  }
0x1d: {  	s5 =	simm.s32 @p1 $0x1;
	p0 =	seq.s32 s7, s2  }
0x1e: {  	s7 =	smul.u32 @!p0 $0xF7A, s2;
	p2 =	seq.s32 @!p0 s5, $0x0  }
0x1f: {  	s9 =	smul.u32 $0xF7A, s1;
	s8 =	simm.s32 @!p0 $0x1BF5;
	p2 =	por !p2, p0  }
0x20: {  	[sflag:s8] =	ssyncset.s32 @!p0 $0xFFFFF086;
	s6 =	sadd.s32 @!p0 s3, s7;
	s7 =	simm.s32 @!p0 $0x108  }
0x21: {  	s3 =	sadd.s32 s3, s9;
	s6 =	sadd.s32 @!p0 $0x88, s6;
	s7 =	simm.s32 @p2 $0x1082  }
0x22: {  	[simem:s7], [sflag:s8] =	dma.local @!p0 [hbm:s6], $0xF7A  }
0x23: {  	s9 =	sor.u32 $0xD0000000, s2;
	s6 =	simm.s32 $0x108;
	_ =	swait.ge @!p0 [sflag:s8], $0x0  }
0x24: {  	s3 =	sadd.s32 $0x88, s3;
	s6 =	simm.s32 @!p1 $0x1082;
	[sflag:s4] =	ssyncset.s32 $0xFFFFF086  }
0x25: {  	[simem:s6], [sflag:s4] =	dma.local [hbm:s3], $0xF7A  }
0x26: {  	[smem:$0x3F97] =	sst s1;
	(tag) =	ssettag s2;
	_ =	strace s9  }
0x27: {  	s1 =	sld [smem:$0x3FA7]  }
0x28: {  	s2 =	sld [smem:$0x3FA8]  }
0x29: {  	s4 =	sld [smem:$0x3FAA]  }
0x2a: {  	p0 =	seq.s32 s5, $0x0;
	s5 =	sld [smem:$0x3FAB]  }
0x2b: {  	s6 =	sld [smem:$0x3FAC]  }
0x2c: {  	s7 =	sld [smem:$0x3FAD]  }
0x2d: {  	s3 =	simm.s32 $0x108;
	s8 =	sld [smem:$0x3FAE]  }
0x2e: {  	s3 =	simm.s32 @!p0 $0x1082;
	s9 =	sld [smem:$0x3FAF]  }
0x2f: {  	lr =	sadd.s32 s0, s3;
	s0 =	sld [smem:$0x3FA6]  }
0x30: {  	s3 =	sld [smem:$0x3FA9]  }
0x31: {  	[smem:$0x3FB2] =	sst s10  }
0x32: {  	s10 =	sld [smem:$0x3FB0];
	_ =	sdelay $0x3  }
0x33: {  	p0 =	seq.s32 s10, $0x1;
	s10 =	sld [smem:$0x3FB2];
	_ =	sdelay $0x3  }
0x34: {  	[smem:$0x3FB2] =	sst s10  }
0x35: {  	s10 =	sld [smem:$0x3FB1];
	_ =	sdelay $0x3  }
0x36: {  	p1 =	seq.s32 s10, $0x1;
	s10 =	sld [smem:$0x3FB2];
	_ =	sdelay $0x3  }
0x37: {  	[smem:$0x3FB2] =	sst s10  }
0x38: {  	s10 =	sld [smem:$0x3FB3]  }
0x39: {  	_ = 	snop;
	(pc) =	sbr.ind lr, $3  }
0x3a: {  	_ = 	snop  }
0x3b: {  	_ = 	snop  }
0x3c: {  	p2 =	seq.s32 s10, $0x1;
	s10 =	sld [smem:$0x3FB2]  }
0x3d: {  	_ =	shalt  }
0x3e: {  	_ =	shalt  }
0x3f: {  	_ =	shalt  }
0x40: {  	_ =	shalt  }
0x41: {  	_ =	shalt  }
0x42: {  	_ =	shalt  }
0x43: {  	_ =	shalt  }
0x44: {  	_ =	shalt  }
0x45: {  	_ =	shalt  }
0x46: {  	_ =	shalt  }
0x47: {  	_ =	shalt  }
0x48: {  	_ =	shalt  }
0x49: {  	_ =	shalt  }
0x4a: {  	_ =	shalt  }
0x4b: {  	_ =	shalt  }
0x4c: {  	_ =	shalt  }
0x4d: {  	_ =	shalt  }
0x4e: {  	_ =	shalt  }
0x4f: {  	_ =	shalt  }
0x50: {  	_ =	shalt  }
0x51: {  	_ =	shalt  }
0x52: {  	_ =	shalt  }
0x53: {  	_ =	shalt  }
0x54: {  	_ =	shalt  }
0x55: {  	_ =	shalt  }
0x56: {  	_ =	shalt  }
0x57: {  	_ =	shalt  }
0x58: {  	_ =	shalt  }
0x59: {  	_ =	shalt  }
0x5a: {  	_ =	shalt  }
0x5b: {  	_ =	shalt  }
0x5c: {  	_ =	shalt  }
0x5d: {  	_ =	shalt  }
0x5e: {  	_ =	shalt  }
0x5f: {  	_ =	shalt  }
0x60: {  	_ =	shalt  }
0x61: {  	_ =	shalt  }
0x62: {  	_ =	shalt  }
0x63: {  	_ =	shalt  }
0x64: {  	_ =	shalt  }
0x65: {  	_ =	shalt  }
0x66: {  	_ =	shalt  }
0x67: {  	_ =	shalt  }
0x68: {  	_ =	shalt  }
0x69: {  	_ =	shalt  }
0x6a: {  	_ =	shalt  }
0x6b: {  	_ =	shalt  }
0x6c: {  	_ =	shalt  }
0x6d: {  	_ =	shalt  }
0x6e: {  	_ =	shalt  }
0x6f: {  	_ =	shalt  }
0x70: {  	_ =	shalt  }
0x71: {  	_ =	shalt  }
0x72: {  	_ =	shalt  }
0x73: {  	_ =	shalt  }
0x74: {  	_ =	shalt  }
0x75: {  	_ =	shalt  }
0x76: {  	_ =	shalt  }
0x77: {  	_ =	shalt  }
0x78: {  	_ =	shalt  }
0x79: {  	_ =	shalt  }
0x7a: {  	_ =	shalt  }
0x7b: {  	_ =	shalt  }
0x7c: {  	_ =	shalt  }
0x7d: {  	_ =	shalt  }
0x7e: {  	_ =	shalt  }
0x7f: {  	_ =	shalt  }
0x80: {  	_ =	shalt  }
0x81: {  	_ =	shalt  }
0x82: {  	_ =	shalt  }
0x83: {  	_ =	shalt  }
0x84: {  	_ =	shalt  }
0x85: {  	_ =	shalt  }
0x86: {  	_ =	shalt  }
0x87: {  	_ =	shalt  }
.Lfunc_end0:
.L_simem_size_0:
called_computation_lowered:
.L_overlay_start_0:
0x88: {  	s2 =	sld [smem:$0x3FD9]  }
0x89: {  	s3 =	sld [smem:$0x3FFE];
	_ =	sdelay $0x1  }
0x8a: {  	s1 =	srdreg.scid  }
0x8b: {  	s0 =	sand.u32 $0x1, s1  }
0x8c: {  	s17 =	sshll.u32 s0, $0xA;
	s2 =	sadd.s32 s3, s2  }
0x8d: {  	s2 =	sadd.s32 s2, s17  }
0x8e: {  	[smem:$0x3FBE] =	sst s2  }
0x8f: {  	_ = 	snop  }
0x90: {  	s2 =	sld [smem:$0x3FD0];
	(tm) =	ssettm $0x1  }
0x91: {  	s18 =	sld [smem:$0x3FFB];
	_ =	sdelay $0x3  }
0x92: {  	_ =	strace s18  }
0x93: {  	s3 =	sld [smem:$0x3FFC];
	_ =	sdelay $0x3  }
0x94: {  	_ =	strace s3  }
0x95: {  	s3 =	sld [smem:$0x3FFD];
	_ =	sdelay $0x3  }
0x96: {  	_ =	strace s3  }
0x97: {  	_ =	strace $0x8FFFFFFF  }
0x98: {  	s19 =	sld [smem:$0x3FDB];
	_ =	sdelay $0x1  }
0x99: {  	s4 =	simm.s32 $_scs_section_size  }
0x9a: {  	s5 =	simm.s32 $_size__tile_overlayer_lowered;
	s6 =	simm.s32 $_tile_overlayer_lowered  }
0x9b: {  	s22 =	simm.s32 $0x1BFF;
	s21 =	sshll.u32 s6, $0x1;
	s3 =	sadd.s32 s4, s19  }
0x9c: {  	s7 =	simm.s32 $0x0;
	s20 =	sshll.u32 s5, $0x1;
	s5 =	sadd.s32 s21, s3  }
0x9d: {  	[timem:s7], [sflag:s22] =	dma.local [hbm:s5], s20  }
0x9e: {  	_ =	swait.ge [sflag:s22], s20  }
0x9f: {  	s4 =	ssub.s32 $0x0, s20;
	[sflag:s22] =	ssyncset.done $0x0  }
0xa0: {  	[sflag:s22] =	ssyncadd.s32 s4;
	_ =	sdelay $0x1  }
0xa1: {  	s23 =	simm.s32 $0x1B8B  }
0xa2: {  	_ =	swait.ge [sflag:s23], $0x1  }
0xa3: {  	[sflag:s23] =	ssyncset.done $0x0  }
0xa4: {  	s25 =	simm.s32 $0x1B8E;
	s24 =	sld [smem:$0x3FFE];
	[sflag:s23] =	ssyncadd.s32 $0xFFFFFFFF  }
0xa5: {  	s26 =	simm.s32 $execute0_lowered;
	[smem:$0x3FD2] =	sst s25  }
0xa6: {  	s5 =	sshll.u32 s26, $0x1;
	_ =	strace $0x80000046;
	[dreg:$0x1] =	wrdreg $0xFFFFFFFF  }
0xa7: {  	s28 =	simm.s32 $_size_execute0_lowered;
	s3 =	sadd.s32 s3, s5;
	[dreg:$0x0] =	wrdreg $0x0  }
0xa8: {  	s5 =	sshll.u32 s28, $0x1;
	[dreg:$0x2] =	wrdreg s3  }
0xa9: {  	[dreg:$0x3] =	wrdreg s5  }
0xaa: {  	[dreg:$0x4] =	wrdreg $0xC0  }
0xab: {  	_ =	task [dreg:s7], $0x5FFFF  }
0xac: {  	[dreg:$0x1] =	wrdreg $0xFFFFFFFF  }
0xad: {  	[dreg:$0x0] =	wrdreg $0x60  }
0xae: {  	[dreg:$0x2] =	wrdreg s24  }
0xaf: {  	[dreg:$0x3] =	wrdreg s2  }
0xb0: {  	[dreg:$0x4] =	wrdreg $0x29000  }
0xb1: {  	[dreg:$0x5] =	wrdreg $0x9  }
0xb2: {  	_ =	task.clear_ibuf [dreg:s7], $0x6FFFF;
	_ =	strace $0x90000046  }
0xb3: {  	s29 =	simm.s32 $0x9;
	_ =	strace $0x80000048  }
0xb4: {  	_ =	swait.ge [sflag:s29], $0x1  }
0xb5: {  	[sflag:s29] =	ssyncadd.s32 $0xFFFFFFFF  }
0xb6: {  	_ =	strace $0x90000048  }
0xb7: {  	_ =	sfence  }
0xb8: {  	s30 =	sld [smem:$0x0];
	_ =	sdelay $0x2  }
0xb9: {  	s31 =	sshll.u32 s1, $0xD;
	s1 =	sshrl.u32 s1, $0x2  }
0xba: {  	s3 =	sand.u32 $0x4000, s31;
	s1 =	sadd.s32 s1, s30  }
0xbb: {  	s0 =	sor.u32 s3, s0;
	s1 =	sshll.u32 s1, $0x11  }
0xbc: {  	s0 =	sor.u32 s1, s0  }
0xbd: {  	s0 =	sadd.s32 $0x8F2B, s0  }
0xbe: {  	[sflag:s0] =	ssyncadd.remote.s32 $0x1  }
0xbf: {  	_ =	sfence.sel $0xFFFF  }
0xc0: {  	[dreg:$0x0] =	wrdreg $0xFFFFFFFF;
	(pc) =	sbr.abs _section_cstart, $3  }
0xc1: {  	[dreg:$0x1] =	wrdreg $0xFFFFFFFF  }
0xc2: {  	_ =	task.clear_ibuf [dreg:s7], $0x2FFFF;
	_ =	strace $0x9FFFFFFF  }
0xc3: {  	(tm) =	ssettm $0x7FFFFFFF  }
tec
execute0_lowered:
.L_overlay_start_1:
0x0: {  	(tag) =	ssettag $0x1  }
0x1: {  	s6 =	rddreg [dreg:$0x0]  }
0x2: {  	s0 =	srdreg.scid;
	s2 =	rddreg [dreg:$0x1]  }
0x3: {  	s3 =	rddreg [dreg:$0x2];
	s4 =	simm.s32 $0x0;
	s21 =	simm.s32 $0x80  }
0x4: {  	s22 =	simm.s32 $0x0;
	s10 =	sand.u32 $0x1, s0;
	s0 =	stileid.u32  }
0x5: {  	[smem:$0x7FF] =	sst s4;
	s16 =	sadd.s32 $0xD600, s6;
	s11 =	smul.u32 $0x280, s0  }
0x6: {  	s1 =	sshll.u32 s10, $0x4;
	s8 =	ssub.s32 $0x2, s10;
	s13 =	smul.u32 $0x500, s0  }
0x7: {  	s18 =	sshll.u32 s10, $0x7;
	s5 =	sor.u32 s0, s1;
	s1 =	rddreg [dreg:$0x3]  }
0x8: {  	_ =	strace $0x80000047;
	s9 =	sshrl.u32 s8, $0x1;
	s5 =	smul.u32 $0x500, s5  }
0x9: {  	s17 =	ssub.s32 s8, s9;
	s12 =	sadd.s32 $0x80, s11;
	s14 =	sadd.s32 $0x100, s11  }
0xa: {  	s15 =	sadd.s32 $0x180, s11;
	s13 =	sor.u32 s18, s13;
	s19 =	sadd.s32 $0x200, s11  }
0xb: {  	s8 =	sadd.s32 s12, s3;
	s9 =	sadd.s32 s14, s3;
	s12 =	sshll.u32 s12, $0x1  }
0xc: {  	s10 =	sadd.s32 s15, s3;
	s13 =	sshrl.u32 s13, $0x3;
	s14 =	sshll.u32 s14, $0x1  }
0xd: {  	s15 =	sshll.u32 s15, $0x1;
	s17 =	smax.u32 s17, $0x1;
	s7 =	sadd.s32 s5, s6  }
0xe: {  	s5 =	sadd.s32 $0xD400, s6;
	s12 =	sor.u32 s18, s12;
	s14 =	sor.u32 s18, s14  }
0xf: {  	s15 =	sor.u32 s18, s15;
	s6 =	sadd.s32 $0x3400, s7;
	s7 =	sadd.s32 s11, s3  }
0x10: {  	s20 =	sshrl.u32 s12, $0x3;
	s11 =	sadd.s32 s19, s3;
	s12 =	sadd.s32 s16, s13  }
0x11: {  	s19 =	sshll.u32 s19, $0x1;
	s14 =	sshrl.u32 s14, $0x3;
	s15 =	sshrl.u32 s15, $0x3  }
0x12: {  	s13 =	sadd.s32 s16, s20;
	s18 =	sor.u32 s18, s19;
	s14 =	sadd.s32 s16, s14  }
0x13: {  	s15 =	sadd.s32 s16, s15;
	s19 =	simm.s32 $0x2800;
	s18 =	sshrl.u32 s18, $0x3  }
0x14: {  	s20 =	simm.s32 $0x2880;
	s16 =	sadd.s32 s16, s18;
	s18 =	simm.s32 $0x1  }
.LBB2_1:
0x15: {  	[tilespmem:s4], [sflag:$0x1] =	stream.linear.gather [hbm4b:s6+s4], $0x2780, $0x38;
	[tilespmem:$0x2B80] =	vst v63  }
0x16: {  	_ =	swait.ge [sflag:s18], $0x2780  }
0x17: {  	[sflag:s18] =	ssyncset.done $0x0  }
0x18: {  	[sflag:s18] =	ssyncadd.s32 $0xFFFFD880  }
0x19: {  	[tilespmem:s19], [sflag:$0x1] =	stream.linear.gather [hbm4b:s2+s4], $0x80, $0x38;
	[tilespmem:$0x2B80] =	vst v63  }
0x1a: {  	_ =	swait.ge [sflag:s18], $0x80  }
0x1b: {  	[sflag:s18] =	ssyncset.done $0x0  }
0x1c: {  	[sflag:s18] =	ssyncadd.s32 $0xFFFFFF80  }
0x1d: {  	[tilespmem:s20], [sflag:$0x1] =	stream.linear.gather [hbm4b:s5+s4], $0x80, $0x38;
	[tilespmem:$0x2B80] =	vst v63  }
0x1e: {  	_ =	swait.ge [sflag:s18], $0x80  }
0x1f: {  	[sflag:s18] =	ssyncset.done $0x0  }
0x20: {  	[sflag:s18] =	ssyncadd.s32 $0xFFFFFF80  }
0x21: {  	[spmem:s7] =	stream.linear.scatter [tilespmem:s19], [sflag:$0x1], $0x80, $0x38;
	[tilespmem:$0x2B80] =	vst v63  }
0x22: {  	_ =	swait.ge [sflag:s18], $0x80  }
0x23: {  	[sflag:s18] =	ssyncset.done $0x0  }
0x24: {  	[sflag:s18] =	ssyncadd.s32 $0xFFFFFF80  }
0x25: {  	[spmem:s8] =	stream.linear.scatter [tilespmem:s19], [sflag:$0x1], $0x80, $0x38;
	[tilespmem:$0x2B80] =	vst v63  }
0x26: {  	_ =	swait.ge [sflag:s18], $0x80  }
0x27: {  	[sflag:s18] =	ssyncset.done $0x0  }
0x28: {  	[sflag:s18] =	ssyncadd.s32 $0xFFFFFF80  }
0x29: {  	[spmem:s9] =	stream.linear.scatter [tilespmem:s19], [sflag:$0x1], $0x80, $0x38;
	[tilespmem:$0x2B80] =	vst v63  }
0x2a: {  	_ =	swait.ge [sflag:s18], $0x80  }
0x2b: {  	[sflag:s18] =	ssyncset.done $0x0  }
0x2c: {  	[sflag:s18] =	ssyncadd.s32 $0xFFFFFF80  }
0x2d: {  	[spmem:s10] =	stream.linear.scatter [tilespmem:s19], [sflag:$0x1], $0x80, $0x38;
	[tilespmem:$0x2B80] =	vst v63  }
0x2e: {  	_ =	swait.ge [sflag:s18], $0x80  }
0x2f: {  	[sflag:s18] =	ssyncset.done $0x0  }
0x30: {  	[sflag:s18] =	ssyncadd.s32 $0xFFFFFF80  }
0x31: {  	[spmem:s11] =	stream.linear.scatter [tilespmem:s19], [sflag:$0x1], $0x80, $0x38;
	[tilespmem:$0x2B80] =	vst v63  }
0x32: {  	_ =	swait.ge [sflag:s18], $0x80  }
0x33: {  	[sflag:s18] =	ssyncset.done $0x0  }
0x34: {  	[sflag:s18] =	ssyncadd.s32 $0xFFFFFF80  }
0x35: {  	s23 =	simm.s32 $0x0;
	[bflag:$0x0] =	sbarrier.arrive $0xFFFF  }
0x36: {  	[spmem:s3] =	stream.indirect.scatter.add.f32 [tilespmem:s20], [sflag:$0x1], $0x1, s23, s21, $0xb8;
	[tilespmem:$0x2B80] =	vst v63  }
0x37: {  	_ =	swait.ge [sflag:s18], $0x80  }
0x38: {  	s23 =	simm.s32 $0x200;
	[sflag:s18] =	ssyncset.done $0x0  }
.LBB2_2:
0x39: {  	s24 =	sshra.s32 s23, $0x2;
	[sflag:s18] =	ssyncadd.s32 $0xFFFFFF80;
	p0 =	sne.s32 s23, $0x9C00  }
0x3a: {  	[spmem:s3] =	stream.indirect.scatter.add.f32 [tilespmem:s20], [sflag:$0x1], $0x1, s24, s21, $0xb8;
	[tilespmem:$0x2B80] =	vst v63  }
.Ltmp0:
0x3b: {  	_ = 	snop;
	(pc) =	sbr.rel @p0 .LBB2_2-.Ltmp0, $4  }
0x3c: {  	_ = 	snop  }
0x3d: {  	s23 =	sadd.s32 $0x200, s23  }
0x3e: {  	_ =	swait.ge [sflag:s18], $0x80  }
0x3f: {  	[sflag:s18] =	ssyncset.done $0x0  }
0x40: {  	[sflag:s18] =	ssyncadd.s32 $0xFFFFFF80  }
0x41: {  	[bflag:$0x0] =	sbarrier.arrive $0xFFFF  }
0x42: {  	[tilespmem:s19], [sflag:$0x1] =	stream.linear.gather [spmem:s7], $0x80, $0x38;
	[tilespmem:$0x2B80] =	vst v63  }
0x43: {  	_ =	swait.ge [sflag:s18], $0x80  }
0x44: {  	[sflag:s18] =	ssyncset.done $0x0  }
0x45: {  	[sflag:s18] =	ssyncadd.s32 $0xFFFFFF80  }
0x46: {  	[hbm4b:s12+s4] =	stream.linear.scatter [tilespmem:s19], [sflag:$0x1], $0x80, $0x38;
	[tilespmem:$0x2B80] =	vst v63  }
0x47: {  	_ =	swait.ge [sflag:s18], $0x80  }
0x48: {  	[sflag:s18] =	ssyncset.done $0x0  }
0x49: {  	[sflag:s18] =	ssyncadd.s32 $0xFFFFFF80  }
0x4a: {  	[tilespmem:s19], [sflag:$0x1] =	stream.linear.gather [spmem:s8], $0x80, $0x38;
	[tilespmem:$0x2B80] =	vst v63  }
0x4b: {  	_ =	swait.ge [sflag:s18], $0x80  }
0x4c: {  	[sflag:s18] =	ssyncset.done $0x0  }
0x4d: {  	[sflag:s18] =	ssyncadd.s32 $0xFFFFFF80  }
0x4e: {  	[hbm4b:s13+s4] =	stream.linear.scatter [tilespmem:s19], [sflag:$0x1], $0x80, $0x38;
	[tilespmem:$0x2B80] =	vst v63  }
0x4f: {  	_ =	swait.ge [sflag:s18], $0x80  }
0x50: {  	[sflag:s18] =	ssyncset.done $0x0  }
0x51: {  	[sflag:s18] =	ssyncadd.s32 $0xFFFFFF80  }
0x52: {  	[tilespmem:s19], [sflag:$0x1] =	stream.linear.gather [spmem:s9], $0x80, $0x38;
	[tilespmem:$0x2B80] =	vst v63  }
0x53: {  	_ =	swait.ge [sflag:s18], $0x80  }
0x54: {  	[sflag:s18] =	ssyncset.done $0x0  }
0x55: {  	[sflag:s18] =	ssyncadd.s32 $0xFFFFFF80  }
0x56: {  	[hbm4b:s14+s4] =	stream.linear.scatter [tilespmem:s19], [sflag:$0x1], $0x80, $0x38;
	[tilespmem:$0x2B80] =	vst v63  }
0x57: {  	_ =	swait.ge [sflag:s18], $0x80  }
0x58: {  	[sflag:s18] =	ssyncset.done $0x0  }
0x59: {  	[sflag:s18] =	ssyncadd.s32 $0xFFFFFF80  }
0x5a: {  	[tilespmem:s19], [sflag:$0x1] =	stream.linear.gather [spmem:s10], $0x80, $0x38;
	[tilespmem:$0x2B80] =	vst v63  }
0x5b: {  	_ =	swait.ge [sflag:s18], $0x80  }
0x5c: {  	[sflag:s18] =	ssyncset.done $0x0  }
0x5d: {  	[sflag:s18] =	ssyncadd.s32 $0xFFFFFF80  }
0x5e: {  	[hbm4b:s15+s4] =	stream.linear.scatter [tilespmem:s19], [sflag:$0x1], $0x80, $0x38;
	[tilespmem:$0x2B80] =	vst v63  }
0x5f: {  	_ =	swait.ge [sflag:s18], $0x80  }
0x60: {  	[sflag:s18] =	ssyncset.done $0x0  }
0x61: {  	[sflag:s18] =	ssyncadd.s32 $0xFFFFFF80  }
0x62: {  	[tilespmem:s19], [sflag:$0x1] =	stream.linear.gather [spmem:s11], $0x80, $0x38;
	[tilespmem:$0x2B80] =	vst v63  }
0x63: {  	s22 =	sadd.s32 $0x1, s22;
	_ =	swait.ge [sflag:s18], $0x80  }
0x64: {  	p0 =	sne.s32 s22, s17;
	[sflag:s18] =	ssyncset.done $0x0  }
.Ltmp1:
0x65: {  	[sflag:s18] =	ssyncadd.s32 $0xFFFFFF80;
	(pc) =	sbr.rel @p0 .LBB2_1-.Ltmp1, $4  }
0x66: {  	[hbm4b:s16+s4] =	stream.linear.scatter [tilespmem:s19], [sflag:$0x1], $0x80, $0x38;
	[tilespmem:$0x2B80] =	vst v63  }
0x67: {  	_ =	swait.ge [sflag:s18], $0x80  }
0x68: {  	[sflag:s18] =	ssyncset.done $0x0  }
0x69: {  	[sflag:s18] =	ssyncadd.s32 $0xFFFFFF80  }
0x6a: {  	_ =	sfence.sel $0x180000  }
0x6b: {  	[bflag:$0x0] =	sbarrier.arrive $0xFFFF  }
0x6c: {  	p0 =	sne.s32 s0, $0x0;
	_ =	strace $0x90000047  }
0x6d: {  	s0 =	sadd.s32 @!p0 $0x100000, s1;
	[bflag:$0x2] =	sbarrier.arrive $0xFFFF  }
0x6e: {  	[sflag:s0] =	ssyncadd.tile.s32 @!p0 $0x1;
	_ =	shalt  }
.Lfunc_end2:
_tile_overlayer_lowered:
.L_overlay_start_2:
0x6f: {  	(tag) =	ssettag $0x2  }
0x70: {  	s0 =	rddreg [dreg:$0x0];
	s2 =	stileid.u32  }
0x71: {  	s1 =	rddreg [dreg:$0x1];
	p0 =	sne.s32 s2, $0x0  }
0x72: {  	s3 =	rddreg [dreg:$0x2];
	[bflag:$0x3] =	sbarrier.arrive $0xFFFF;
	s2 =	simm.s32 @!p0 $0x1C01  }
0x73: {  	[timem:s3], [sflag:s2] =	dma.local @!p0 [hbm:s0], s1  }
0x74: {  	s0 =	simm.s32 @!p0 $0x1  }
0x75: {  	_ =	swait.ge @!p0 [sflag:s0], s1  }
0x76: {  	s1 =	ssub.s32 @!p0 $0x0, s1;
	[sflag:s0] =	ssyncset.done @!p0 $0x0  }
0x77: {  	[sflag:s0] =	ssyncadd.s32 @!p0 s1  }
0x78: {  	[bflag:$0x3] =	sbarrier.arrive $0xFFFF  }
0x79: {  	_ =	shalt  }

</sc_bundles>
